<compile_context>
chip_gen: v7x
topology: tpu7x:2x2x1
jax: 0.10.2.dev20260603
libtpu: 0.0.44.dev20260713+nightly
codegen_flags: <defaults>
</compile_context>

<pallas_src>
import functools
import math

import jax
import jax.numpy as jnp
from jax import lax
from jax.experimental import pallas as pl
from jax.experimental.pallas import tpu as pltpu
from jax.experimental.pallas import tpu_sc as plsc

B = 100
NP = 100
EG = 3200
N = B * NP
E = B * EG
FDIM = 128
H = 128
C = 10
K1 = math.ceil(0.5 * NP)
K2 = math.ceil(0.5 * K1)
K3 = math.ceil(0.5 * K2)

G = 5
SLOT = 128
R = G * SLOT

_NEG_INF = float("-inf")

_SC_INFO = plsc.get_sparse_core_info()
_NC = _SC_INFO.num_cores
_NS = _SC_INFO.num_subcores
_NW = _NC * _NS
_GPW = -(-B // _NW)
_LANES = 16


def _sc_count_body(src_hbm, dst_hbm, out_hbm, src_v, dst_v, cnt_v):
    wid = lax.axis_index("s") * _NC + lax.axis_index("c")
    ones = jnp.ones((_LANES,), jnp.float32)
    for t in range(_GPW):
        gid = wid * _GPW + t

        @pl.when(gid < B)
        def _():
            pltpu.sync_copy(src_hbm.at[gid], src_v)
            pltpu.sync_copy(dst_hbm.at[gid], dst_v)

            def zero_step(j, _):
                base = pl.multiple_of(j * _LANES, 8)
                cnt_v[pl.ds(base, _LANES)] = jnp.zeros((_LANES,), jnp.float32)
                return 0

            lax.fori_loop(0, NP * NP // _LANES, zero_step, 0)
            off = gid * NP

            def edge_step(j, _):
                base = pl.multiple_of(j * _LANES, 8)
                s = src_v[pl.ds(base, _LANES)] - off
                d = dst_v[pl.ds(base, _LANES)] - off
                plsc.addupdate_scatter(cnt_v, [d * NP + s], ones)
                return 0

            lax.fori_loop(0, EG // _LANES, edge_step, 0)
            pltpu.sync_copy(cnt_v, out_hbm.at[gid])

    return None


@functools.partial(
    pl.kernel,
    mesh=plsc.VectorSubcoreMesh(core_axis_name="c", subcore_axis_name="s"),
    out_type=jax.ShapeDtypeStruct((B, NP * NP), jnp.float32),
    compiler_params=pltpu.CompilerParams(needs_layout_passes=False),
    scratch_types=[
        pltpu.VMEM((EG,), jnp.int32),
        pltpu.VMEM((EG,), jnp.int32),
        pltpu.VMEM((NP * NP,), jnp.float32),
    ],
)
def _sc_count(src_hbm, dst_hbm, out_hbm, src_v, dst_v, cnt_v):
    _sc_count_body(src_hbm, dst_hbm, out_hbm, src_v, dst_v, cnt_v)


def _rowcast(v):
    return lax.dot_general(jnp.ones((1, 1), jnp.float32), v,
                           (((1,), (1,)), ((), ())),
                           preferred_element_type=jnp.float32)


def _sag_body(x_ref, cnt_ref, W1, b1, W2, b2, W3, b3, Wp1, bp1, Wp2, bp2,
              fW1, fb1, fW2, fb2, fW3, fb3, out_ref, cbig_ref, hp_ref):
    f32 = jnp.float32

    @pl.when(pl.program_id(0) == 0)
    def _():
        cbig_ref[...] = jnp.zeros((R, R), f32)
        hp_ref[...] = jnp.zeros((R, FDIM), f32)

    for g in range(G):
        cbig_ref[pl.ds(g * SLOT, NP), pl.ds(g * SLOT, NP)] = cnt_ref[0, g]
        hp_ref[pl.ds(g * SLOT, NP), :] = x_ref[0, g]
    cbig = cbig_ref[...]

    ii = lax.broadcasted_iota(jnp.int32, (R, R), 0)
    jj = lax.broadcasted_iota(jnp.int32, (R, R), 1)
    tie_ok = ((ii >> 7) == (jj >> 7)) & (jj < ii)
    same_g = (ii >> 7) == (jj >> 7)

    riota = lax.broadcasted_iota(jnp.int32, (R, 1), 0)
    m = ((riota % SLOT) < NP).astype(f32)
    h = hp_ref[...]
    sel = ((lax.broadcasted_iota(jnp.int32, (G, R), 1) >> 7)
           == lax.broadcasted_iota(jnp.int32, (G, R), 0)).astype(f32)

    stages = ((W1, b1, Wp1, bp1, K1), (W2, b2, Wp2, bp2, K2),
              (W3, b3, Wp2, bp2, K3))
    z = jnp.zeros((G, 3 * H), f32)
    for (W, b, Wp, bp, k) in stages:
        xw = jnp.dot(h, W[...], preferred_element_type=f32)
        deg = m * jnp.sum(cbig * _rowcast(m), axis=1, keepdims=True) + m
        dinv = jnp.where(deg > 0, lax.rsqrt(jnp.maximum(deg, 1e-12)), 0.0)
        dm = dinv * m
        self_w = dinv * dinv * m
        agg = dm * jnp.dot(cbig, dm * xw, preferred_element_type=f32) \
            + self_w * xw
        h = jnp.maximum((agg + b[...]) * m, 0.0)
        xws = jnp.dot(h, Wp[...], preferred_element_type=f32)
        sc = (dm * jnp.sum(cbig * _rowcast(dm * xws), axis=1, keepdims=True)
              + self_w * xws + bp[...]) * m
        scm = jnp.where(m > 0, sc, _NEG_INF)
        scr = _rowcast(scm)
        beats = same_g & (scr > scm) | (tie_ok & (scr == scm))
        rank = jnp.sum(beats.astype(f32), axis=1, keepdims=True)
        mn = (rank < k).astype(f32)
        h = h * jnp.tanh(sc) * mn
        ssum = jnp.dot(sel, h, preferred_element_type=f32)
        hv = h.reshape(G, SLOT, H)
        mv = (mn > 0).reshape(G, SLOT, 1)
        mx = jnp.max(jnp.where(mv, hv, _NEG_INF), axis=1)
        z = z + jnp.concatenate([ssum / k, mx, ssum], axis=1)
        m = mn
    z = jnp.maximum(jnp.dot(z, fW1[...], preferred_element_type=f32)
                    + fb1[...], 0.0)
    z = jnp.maximum(jnp.dot(z, fW2[...], preferred_element_type=f32)
                    + fb2[...], 0.0)
    z = jnp.dot(z, fW3[...], preferred_element_type=f32) + fb3[...]
    z = z - jnp.max(z, axis=1, keepdims=True)
    z = z - jnp.log(jnp.sum(jnp.exp(z), axis=1, keepdims=True))
    out_ref[0] = z


def _full(shape):
    return pl.BlockSpec(shape, lambda i: (0,) * len(shape))


@jax.jit
def kernel(x, W1, b1, W2, b2, W3, b3, Wp1, bp1, Wp2, bp2,
           fW1, fb1, fW2, fb2, fW3, fb3, edge_index, batch):
    e32 = edge_index.astype(jnp.int32)
    cnt = _sc_count(e32[0].reshape(B, EG), e32[1].reshape(B, EG))
    cnt4 = cnt.reshape(B // G, G, NP, NP)
    x4 = x.reshape(B // G, G, NP, FDIM)
    args = (x4, cnt4,
            W1, b1.reshape(1, H), W2, b2.reshape(1, H), W3, b3.reshape(1, H),
            Wp1, bp1.reshape(1, 1), Wp2, bp2.reshape(1, 1),
            fW1, fb1.reshape(1, H), fW2, fb2.reshape(1, H // 2),
            fW3, fb3.reshape(1, C))
    in_specs = [
        pl.BlockSpec((1, G, NP, FDIM), lambda i: (i, 0, 0, 0)),
        pl.BlockSpec((1, G, NP, NP), lambda i: (i, 0, 0, 0)),
    ] + [_full(a.shape) for a in args[2:]]
    out = pl.pallas_call(
        _sag_body,
        grid=(B // G,),
        in_specs=in_specs,
        out_specs=pl.BlockSpec((1, G, C), lambda i: (i, 0, 0)),
        out_shape=jax.ShapeDtypeStruct((B // G, G, C), jnp.float32),
        scratch_shapes=[pltpu.VMEM((R, R), jnp.float32),
                        pltpu.VMEM((R, FDIM), jnp.float32)],
    )(*args)
    return out.reshape(B, C)

# --- scband reference (transcript-rebuilt; emitter-appended) ---
"""Pipeline reference for scband-sagpool-36816459661883 (READ-ONLY COPY).

The authoritative reference and input builder live on the scoring server;
editing this copy changes nothing except your own understanding.
"""

import jax, jax.numpy as jnp
import numpy as np
import math

B = 100; NP = 100; N = 10000; EG = 3200; E = 320000; FDIM = 128; H = 128; C = 10; RATIO = 0.5


def setup_inputs(seed: int = 0):
    key = jax.random.key(seed)
    ks = jax.random.split(key, 12)
    rng = np.random.default_rng(0)
    s = rng.integers(0, NP, size=(B, EG))
    d = rng.integers(0, NP, size=(B, EG))
    off = (np.arange(B) * NP)[:, None]
    edge_index = jnp.asarray(np.stack([(s + off).ravel(), (d + off).ravel()]).astype(np.int64))
    def w(k, shape, scale=0.05):
        return jax.random.normal(k, shape, jnp.float32) * scale
    return {
        'x': jax.random.normal(ks[0], (N, FDIM), jnp.float32),
        'W1': w(ks[1], (FDIM, H)), 'b1': jnp.zeros((H,), jnp.float32),
        'W2': w(ks[2], (H, H)), 'b2': jnp.zeros((H,), jnp.float32),
        'W3': w(ks[3], (H, H)), 'b3': jnp.zeros((H,), jnp.float32),
        'Wp1': w(ks[4], (H, 1)), 'bp1': jnp.zeros((1,), jnp.float32),
        'Wp2': w(ks[5], (H, 1)), 'bp2': jnp.zeros((1,), jnp.float32),
        'fW1': w(ks[6], (3 * H, H)), 'fb1': jnp.zeros((H,), jnp.float32),
        'fW2': w(ks[7], (H, H // 2)), 'fb2': jnp.zeros((H // 2,), jnp.float32),
        'fW3': w(ks[8], (H // 2, C)), 'fb3': jnp.zeros((C,), jnp.float32),
        'edge_index': edge_index,
        'batch': jnp.repeat(jnp.arange(B), NP),
    }


def _gcn(x, W, b, src, dst, e_alive, n_mask):
    # GCNConv with symmetric normalization and self-loops, restricted to alive nodes/edges
    xw = x @ W
    deg = jnp.zeros((N,), x.dtype).at[dst].add(e_alive) + n_mask
    dinv = jnp.where(deg > 0, jax.lax.rsqrt(jnp.maximum(deg, 1e-12)), 0.0)
    norm = dinv[src] * dinv[dst] * e_alive
    agg = jnp.zeros_like(xw).at[dst].add(norm[:, None] * xw[src])
    agg = agg + ((dinv * dinv * n_mask)[:, None]) * xw
    return (agg + b) * n_mask[:, None]


def _topk_mask(score, n_mask, k):
    sc = jnp.where(n_mask > 0, score, -jnp.inf).reshape(B, NP)
    idx = jax.lax.top_k(sc, k)[1]
    m = jnp.zeros((B, NP), score.dtype).at[jnp.arange(B)[:, None], idx].set(1.0)
    return m.reshape(-1)


def _readout(x, n_mask, k):
    xm = (x * n_mask[:, None]).reshape(B, NP, -1)
    s = xm.sum(axis=1)
    mean = s / k
    mx = jnp.where(n_mask[:, None] > 0, x, -jnp.inf).reshape(B, NP, -1).max(axis=1)
    return jnp.concatenate([mean, mx, s], axis=1)


def reference(x, W1, b1, W2, b2, W3, b3, Wp1, bp1, Wp2, bp2, fW1, fb1, fW2, fb2, fW3, fb3, edge_index, batch):
    src, dst = edge_index[0], edge_index[1]
    m0 = jnp.ones((N,), x.dtype)
    e0 = jnp.ones((E,), x.dtype)
    k1 = math.ceil(RATIO * NP); k2 = math.ceil(RATIO * k1); k3 = math.ceil(RATIO * k2)
    h = jax.nn.relu(_gcn(x, W1, b1, src, dst, e0, m0))
    s1 = _gcn(h, Wp1, bp1, src, dst, e0, m0)[:, 0]
    m1 = _topk_mask(s1, m0, k1)
    h = h * jnp.tanh(s1)[:, None] * m1[:, None]
    x1 = _readout(h, m1, k1)
    e1 = m1[src] * m1[dst]
    h = jax.nn.relu(_gcn(h, W2, b2, src, dst, e1, m1))
    s2 = _gcn(h, Wp2, bp2, src, dst, e1, m1)[:, 0]
    m2 = _topk_mask(s2, m1, k2)
    h = h * jnp.tanh(s2)[:, None] * m2[:, None]
    x2 = _readout(h, m2, k2)
    e2 = m2[src] * m2[dst]
    h = jax.nn.relu(_gcn(h, W3, b3, src, dst, e2, m2))
    s3 = _gcn(h, Wp2, bp2, src, dst, e2, m2)[:, 0]  # original forward reuses pool2 at stage 3
    m3 = _topk_mask(s3, m2, k3)
    h = h * jnp.tanh(s3)[:, None] * m3[:, None]
    x3 = _readout(h, m3, k3)
    z = x1 + x2 + x3
    z = jax.nn.relu(z @ fW1 + fb1)
    z = jax.nn.relu(z @ fW2 + fb2)
    z = jax.nn.log_softmax(z @ fW3 + fb3, axis=-1)
    return z

if __name__ == "__main__":
    import jax
    _d = setup_inputs()
    print(jax.jit(kernel)(*tuple(_d.values())))

</pallas_src>

<mosaic_0001>
#map = affine_map<(d0, d1) -> (0, 0)>
module attributes {stable_mosaic.version = 14 : i64} {
  func.func @_sc_count(%arg0: i32, %arg1: i32, %arg2: memref<100x3200xi32, #tpu.memory_space<hbm>>, %arg3: memref<100x3200xi32, #tpu.memory_space<hbm>>, %arg4: memref<100x10000xf32, #tpu.memory_space<hbm>>, %arg5: memref<3200xi32, #tpu.memory_space<vmem>>, %arg6: memref<3200xi32, #tpu.memory_space<vmem>>, %arg7: memref<10000xf32, #tpu.memory_space<vmem>>) attributes {dimension_semantics = [#tpu.dimension_semantics<core_parallel>, #tpu.dimension_semantics<subcore_parallel>], iteration_bounds = array<i64: 2, 16>, scalar_prefetch = 0 : i64, scratch_operands = 3 : i64, tpu.core_type = #tpu.core_type<sc_vector_subcore>, window_params = [{transform_indices = #map}, {transform_indices = #map}, {transform_indices = #map}]} {
    %mul3A = arith.constant 2 : i32
    %mul3A_0 = arith.muli %arg1, %mul3A : i32
    %add3A = arith.addi %mul3A_0, %arg0 : i32
    %broadcast_in_dim3A = arith.constant 1.000000e+00 : f32
    %broadcast_in_dim3A_1 = vector.broadcast %broadcast_in_dim3A : f32 to vector<16xf32>
    %mul3A_2 = arith.constant 4 : i32
    %mul3A_3 = arith.muli %add3A, %mul3A_2 : i32
    %add3A_4 = arith.constant 0 : i32
    %add3A_5 = arith.addi %mul3A_3, %add3A_4 : i32
    %lt3A = arith.constant 100 : i32
    %lt3A_6 = arith.cmpi slt, %add3A_5, %lt3A : i32
    %convert_element_type3A = arith.extui %lt3A_6 : i1 to i32
    %cond3A = arith.constant 0 : i32
    %cond3A_7 = arith.cmpi ne, %convert_element_type3A, %cond3A : i32
    scf.if %cond3A_7 {
      "tpu.region"() ({
        %run_scoped3A = tpu.sem_alloc : memref<!tpu.dma_semaphore, #tpu.memory_space<semaphore_mem>>
        %dma_start3A = arith.constant 0 : i32
        %dma_start3A_50 = tpu.memref_slice %arg2[%add3A_5, %dma_start3A] : memref<100x3200xi32, #tpu.memory_space<hbm>> -> memref<1x3200xi32, #tpu.memory_space<hbm>>
        %dma_start3A_51 = tpu.memref_squeeze %dma_start3A_50 : memref<1x3200xi32, #tpu.memory_space<hbm>> -> memref<3200xi32, #tpu.memory_space<hbm>>
        %dma_start3A_52 = arith.constant 0 : i32
        %dma_start3A_53 = tpu.memref_slice %arg2[%add3A_5, %dma_start3A_52] : memref<100x3200xi32, #tpu.memory_space<hbm>> -> memref<1x3200xi32, #tpu.memory_space<hbm>>
        %dma_start3A_54 = tpu.memref_squeeze %dma_start3A_53 : memref<1x3200xi32, #tpu.memory_space<hbm>> -> memref<3200xi32, #tpu.memory_space<hbm>>
        tpu.enqueue_dma source(%dma_start3A_54 : memref<3200xi32, #tpu.memory_space<hbm>>) target(%arg5 : memref<3200xi32, #tpu.memory_space<vmem>>) target_semaphore(%run_scoped3A : memref<!tpu.dma_semaphore, #tpu.memory_space<semaphore_mem>>)
        %dma_wait3A = arith.constant 0 : i32
        %dma_wait3A_55 = tpu.memref_slice %arg2[%add3A_5, %dma_wait3A] : memref<100x3200xi32, #tpu.memory_space<hbm>> -> memref<1x3200xi32, #tpu.memory_space<hbm>>
        %dma_wait3A_56 = tpu.memref_squeeze %dma_wait3A_55 : memref<1x3200xi32, #tpu.memory_space<hbm>> -> memref<3200xi32, #tpu.memory_space<hbm>>
        %dma_wait3A_57 = arith.constant 0 : i32
        %dma_wait3A_58 = tpu.memref_slice %arg2[%add3A_5, %dma_wait3A_57] : memref<100x3200xi32, #tpu.memory_space<hbm>> -> memref<1x3200xi32, #tpu.memory_space<hbm>>
        %dma_wait3A_59 = tpu.memref_squeeze %dma_wait3A_58 : memref<1x3200xi32, #tpu.memory_space<hbm>> -> memref<3200xi32, #tpu.memory_space<hbm>>
        tpu.wait_dma2 semaphore(%run_scoped3A : memref<!tpu.dma_semaphore, #tpu.memory_space<semaphore_mem>>) src(%dma_wait3A_59 : memref<3200xi32, #tpu.memory_space<hbm>>) dst(%arg5 : memref<3200xi32, #tpu.memory_space<vmem>>)
        tpu.yield
      }) : () -> ()
      "tpu.region"() ({
        %run_scoped3A = tpu.sem_alloc : memref<!tpu.dma_semaphore, #tpu.memory_space<semaphore_mem>>
        %dma_start3A = arith.constant 0 : i32
        %dma_start3A_50 = tpu.memref_slice %arg3[%add3A_5, %dma_start3A] : memref<100x3200xi32, #tpu.memory_space<hbm>> -> memref<1x3200xi32, #tpu.memory_space<hbm>>
        %dma_start3A_51 = tpu.memref_squeeze %dma_start3A_50 : memref<1x3200xi32, #tpu.memory_space<hbm>> -> memref<3200xi32, #tpu.memory_space<hbm>>
        %dma_start3A_52 = arith.constant 0 : i32
        %dma_start3A_53 = tpu.memref_slice %arg3[%add3A_5, %dma_start3A_52] : memref<100x3200xi32, #tpu.memory_space<hbm>> -> memref<1x3200xi32, #tpu.memory_space<hbm>>
        %dma_start3A_54 = tpu.memref_squeeze %dma_start3A_53 : memref<1x3200xi32, #tpu.memory_space<hbm>> -> memref<3200xi32, #tpu.memory_space<hbm>>
        tpu.enqueue_dma source(%dma_start3A_54 : memref<3200xi32, #tpu.memory_space<hbm>>) target(%arg6 : memref<3200xi32, #tpu.memory_space<vmem>>) target_semaphore(%run_scoped3A : memref<!tpu.dma_semaphore, #tpu.memory_space<semaphore_mem>>)
        %dma_wait3A = arith.constant 0 : i32
        %dma_wait3A_55 = tpu.memref_slice %arg3[%add3A_5, %dma_wait3A] : memref<100x3200xi32, #tpu.memory_space<hbm>> -> memref<1x3200xi32, #tpu.memory_space<hbm>>
        %dma_wait3A_56 = tpu.memref_squeeze %dma_wait3A_55 : memref<1x3200xi32, #tpu.memory_space<hbm>> -> memref<3200xi32, #tpu.memory_space<hbm>>
        %dma_wait3A_57 = arith.constant 0 : i32
        %dma_wait3A_58 = tpu.memref_slice %arg3[%add3A_5, %dma_wait3A_57] : memref<100x3200xi32, #tpu.memory_space<hbm>> -> memref<1x3200xi32, #tpu.memory_space<hbm>>
        %dma_wait3A_59 = tpu.memref_squeeze %dma_wait3A_58 : memref<1x3200xi32, #tpu.memory_space<hbm>> -> memref<3200xi32, #tpu.memory_space<hbm>>
        tpu.wait_dma2 semaphore(%run_scoped3A : memref<!tpu.dma_semaphore, #tpu.memory_space<semaphore_mem>>) src(%dma_wait3A_59 : memref<3200xi32, #tpu.memory_space<hbm>>) dst(%arg6 : memref<3200xi32, #tpu.memory_space<vmem>>)
        tpu.yield
      }) : () -> ()
      %scan3A = arith.constant 0 : i32
      %scan3A_35 = arith.constant 0 : i32
      %scan3A_36 = arith.constant 625 : i32
      %scan3A_37 = arith.addi %scan3A_35, %scan3A_36 : i32
      %scan3A_38 = arith.constant 1 : i32
      %scan3A_39 = scf.for %scan3A_50 = %scan3A_35 to %scan3A_37 step %scan3A_38 iter_args(%scan3A_51 = %scan3A) -> (i32)  : i32 {
        %mul3A_52 = arith.constant 16 : i32
        %mul3A_53 = arith.muli %scan3A_50, %mul3A_52 : i32
        %multiple_of3A = tpu.assume_multiple %mul3A_53, 8 : i32
        %broadcast_in_dim3A_54 = arith.constant 0.000000e+00 : f32
        %broadcast_in_dim3A_55 = vector.broadcast %broadcast_in_dim3A_54 : f32 to vector<16xf32>
        %swap3A = arith.index_cast %multiple_of3A : i32 to index
        %swap3A_56 = tpu.vector_load %arg7[%swap3A] {strides = array<i32>} : memref<10000xf32, #tpu.memory_space<vmem>>, vector<16xf32>,
        tpu.vector_store %arg7[%swap3A], %broadcast_in_dim3A_55 {strides = array<i32>} : memref<10000xf32, #tpu.memory_space<vmem>>, vector<16xf32>,
        %scan3A_57 = arith.constant 0 : i32
        scf.yield %scan3A_57 : i32
      }
      %scan3A_40 = arith.constant 625 : i32
      %mul3A_41 = arith.constant 100 : i32
      %mul3A_42 = arith.muli %add3A_5, %mul3A_41 : i32
      %scan3A_43 = arith.constant 0 : i32
      %scan3A_44 = arith.constant 0 : i32
      %scan3A_45 = arith.constant 200 : i32
      %scan3A_46 = arith.addi %scan3A_44, %scan3A_45 : i32
      %scan3A_47 = arith.constant 1 : i32
      %scan3A_48 = scf.for %scan3A_50 = %scan3A_44 to %scan3A_46 step %scan3A_47 iter_args(%scan3A_51 = %scan3A_43) -> (i32)  : i32 {
        %mul3A_52 = arith.constant 16 : i32
        %mul3A_53 = arith.muli %scan3A_50, %mul3A_52 : i32
        %multiple_of3A = tpu.assume_multiple %mul3A_53, 8 : i32
        %get3A = arith.index_cast %multiple_of3A : i32 to index
        %get3A_54 = tpu.vector_load %arg5[%get3A] {strides = array<i32>} : memref<3200xi32, #tpu.memory_space<vmem>>, vector<16xi32>,
        %sub3A = vector.broadcast %mul3A_42 : i32 to vector<16xi32>
        %sub3A_55 = arith.subi %get3A_54, %sub3A : vector<16xi32>
        %get3A_56 = arith.index_cast %multiple_of3A : i32 to index
        %get3A_57 = tpu.vector_load %arg6[%get3A_56] {strides = array<i32>} : memref<3200xi32, #tpu.memory_space<vmem>>, vector<16xi32>,
        %sub3A_58 = vector.broadcast %mul3A_42 : i32 to vector<16xi32>
        %sub3A_59 = arith.subi %get3A_57, %sub3A_58 : vector<16xi32>
        %mul3A_60 = arith.constant 100 : i32
        %mul3A_61 = vector.broadcast %mul3A_60 : i32 to vector<16xi32>
        %mul3A_62 = arith.muli %sub3A_59, %mul3A_61 : vector<16xi32>
        %add3A_63 = arith.addi %mul3A_62, %sub3A_55 : vector<16xi32>
        tpu.vector_store_idx %arg7[%add3A_63], %broadcast_in_dim3A_1 {add = true} : memref<10000xf32, #tpu.memory_space<vmem>>[vector<16xi32>], vector<16xf32>,
        %scan3A_64 = arith.constant 0 : i32
        scf.yield %scan3A_64 : i32
      }
      %scan3A_49 = arith.constant 200 : i32
      "tpu.region"() ({
        %run_scoped3A = tpu.sem_alloc : memref<!tpu.dma_semaphore, #tpu.memory_space<semaphore_mem>>
        %dma_start3A = arith.constant 0 : i32
        %dma_start3A_50 = tpu.memref_slice %arg4[%add3A_5, %dma_start3A] : memref<100x10000xf32, #tpu.memory_space<hbm>> -> memref<1x10000xf32, #tpu.memory_space<hbm>>
        %dma_start3A_51 = tpu.memref_squeeze %dma_start3A_50 : memref<1x10000xf32, #tpu.memory_space<hbm>> -> memref<10000xf32, #tpu.memory_space<hbm>>
        %dma_start3A_52 = arith.constant 0 : i32
        %dma_start3A_53 = tpu.memref_slice %arg4[%add3A_5, %dma_start3A_52] : memref<100x10000xf32, #tpu.memory_space<hbm>> -> memref<1x10000xf32, #tpu.memory_space<hbm>>
        %dma_start3A_54 = tpu.memref_squeeze %dma_start3A_53 : memref<1x10000xf32, #tpu.memory_space<hbm>> -> memref<10000xf32, #tpu.memory_space<hbm>>
        tpu.enqueue_dma source(%arg7 : memref<10000xf32, #tpu.memory_space<vmem>>) target(%dma_start3A_54 : memref<10000xf32, #tpu.memory_space<hbm>>) target_semaphore(%run_scoped3A : memref<!tpu.dma_semaphore, #tpu.memory_space<semaphore_mem>>)
        %dma_wait3A = arith.constant 0 : i32
        %dma_wait3A_55 = tpu.memref_slice %arg4[%add3A_5, %dma_wait3A] : memref<100x10000xf32, #tpu.memory_space<hbm>> -> memref<1x10000xf32, #tpu.memory_space<hbm>>
        %dma_wait3A_56 = tpu.memref_squeeze %dma_wait3A_55 : memref<1x10000xf32, #tpu.memory_space<hbm>> -> memref<10000xf32, #tpu.memory_space<hbm>>
        %dma_wait3A_57 = arith.constant 0 : i32
        %dma_wait3A_58 = tpu.memref_slice %arg4[%add3A_5, %dma_wait3A_57] : memref<100x10000xf32, #tpu.memory_space<hbm>> -> memref<1x10000xf32, #tpu.memory_space<hbm>>
        %dma_wait3A_59 = tpu.memref_squeeze %dma_wait3A_58 : memref<1x10000xf32, #tpu.memory_space<hbm>> -> memref<10000xf32, #tpu.memory_space<hbm>>
        tpu.wait_dma2 semaphore(%run_scoped3A : memref<!tpu.dma_semaphore, #tpu.memory_space<semaphore_mem>>) src(%arg7 : memref<10000xf32, #tpu.memory_space<vmem>>) dst(%dma_wait3A_59 : memref<10000xf32, #tpu.memory_space<hbm>>)
        tpu.yield
      }) : () -> ()
    } else {
    }
    %mul3A_8 = arith.constant 4 : i32
    %mul3A_9 = arith.muli %add3A, %mul3A_8 : i32
    %add3A_10 = arith.constant 1 : i32
    %add3A_11 = arith.addi %mul3A_9, %add3A_10 : i32
    %lt3A_12 = arith.constant 100 : i32
    %lt3A_13 = arith.cmpi slt, %add3A_11, %lt3A_12 : i32
    %convert_element_type3A_14 = arith.extui %lt3A_13 : i1 to i32
    %cond3A_15 = arith.constant 0 : i32
    %cond3A_16 = arith.cmpi ne, %convert_element_type3A_14, %cond3A_15 : i32
    scf.if %cond3A_16 {
      "tpu.region"() ({
        %run_scoped3A = tpu.sem_alloc : memref<!tpu.dma_semaphore, #tpu.memory_space<semaphore_mem>>
        %dma_start3A = arith.constant 0 : i32
        %dma_start3A_50 = tpu.memref_slice %arg2[%add3A_11, %dma_start3A] : memref<100x3200xi32, #tpu.memory_space<hbm>> -> memref<1x3200xi32, #tpu.memory_space<hbm>>
        %dma_start3A_51 = tpu.memref_squeeze %dma_start3A_50 : memref<1x3200xi32, #tpu.memory_space<hbm>> -> memref<3200xi32, #tpu.memory_space<hbm>>
        %dma_start3A_52 = arith.constant 0 : i32
        %dma_start3A_53 = tpu.memref_slice %arg2[%add3A_11, %dma_start3A_52] : memref<100x3200xi32, #tpu.memory_space<hbm>> -> memref<1x3200xi32, #tpu.memory_space<hbm>>
        %dma_start3A_54 = tpu.memref_squeeze %dma_start3A_53 : memref<1x3200xi32, #tpu.memory_space<hbm>> -> memref<3200xi32, #tpu.memory_space<hbm>>
        tpu.enqueue_dma source(%dma_start3A_54 : memref<3200xi32, #tpu.memory_space<hbm>>) target(%arg5 : memref<3200xi32, #tpu.memory_space<vmem>>) target_semaphore(%run_scoped3A : memref<!tpu.dma_semaphore, #tpu.memory_space<semaphore_mem>>)
        %dma_wait3A = arith.constant 0 : i32
        %dma_wait3A_55 = tpu.memref_slice %arg2[%add3A_11, %dma_wait3A] : memref<100x3200xi32, #tpu.memory_space<hbm>> -> memref<1x3200xi32, #tpu.memory_space<hbm>>
        %dma_wait3A_56 = tpu.memref_squeeze %dma_wait3A_55 : memref<1x3200xi32, #tpu.memory_space<hbm>> -> memref<3200xi32, #tpu.memory_space<hbm>>
        %dma_wait3A_57 = arith.constant 0 : i32
        %dma_wait3A_58 = tpu.memref_slice %arg2[%add3A_11, %dma_wait3A_57] : memref<100x3200xi32, #tpu.memory_space<hbm>> -> memref<1x3200xi32, #tpu.memory_space<hbm>>
        %dma_wait3A_59 = tpu.memref_squeeze %dma_wait3A_58 : memref<1x3200xi32, #tpu.memory_space<hbm>> -> memref<3200xi32, #tpu.memory_space<hbm>>
        tpu.wait_dma2 semaphore(%run_scoped3A : memref<!tpu.dma_semaphore, #tpu.memory_space<semaphore_mem>>) src(%dma_wait3A_59 : memref<3200xi32, #tpu.memory_space<hbm>>) dst(%arg5 : memref<3200xi32, #tpu.memory_space<vmem>>)
        tpu.yield
      }) : () -> ()
      "tpu.region"() ({
        %run_scoped3A = tpu.sem_alloc : memref<!tpu.dma_semaphore, #tpu.memory_space<semaphore_mem>>
        %dma_start3A = arith.constant 0 : i32
        %dma_start3A_50 = tpu.memref_slice %arg3[%add3A_11, %dma_start3A] : memref<100x3200xi32, #tpu.memory_space<hbm>> -> memref<1x3200xi32, #tpu.memory_space<hbm>>
        %dma_start3A_51 = tpu.memref_squeeze %dma_start3A_50 : memref<1x3200xi32, #tpu.memory_space<hbm>> -> memref<3200xi32, #tpu.memory_space<hbm>>
        %dma_start3A_52 = arith.constant 0 : i32
        %dma_start3A_53 = tpu.memref_slice %arg3[%add3A_11, %dma_start3A_52] : memref<100x3200xi32, #tpu.memory_space<hbm>> -> memref<1x3200xi32, #tpu.memory_space<hbm>>
        %dma_start3A_54 = tpu.memref_squeeze %dma_start3A_53 : memref<1x3200xi32, #tpu.memory_space<hbm>> -> memref<3200xi32, #tpu.memory_space<hbm>>
        tpu.enqueue_dma source(%dma_start3A_54 : memref<3200xi32, #tpu.memory_space<hbm>>) target(%arg6 : memref<3200xi32, #tpu.memory_space<vmem>>) target_semaphore(%run_scoped3A : memref<!tpu.dma_semaphore, #tpu.memory_space<semaphore_mem>>)
        %dma_wait3A = arith.constant 0 : i32
        %dma_wait3A_55 = tpu.memref_slice %arg3[%add3A_11, %dma_wait3A] : memref<100x3200xi32, #tpu.memory_space<hbm>> -> memref<1x3200xi32, #tpu.memory_space<hbm>>
        %dma_wait3A_56 = tpu.memref_squeeze %dma_wait3A_55 : memref<1x3200xi32, #tpu.memory_space<hbm>> -> memref<3200xi32, #tpu.memory_space<hbm>>
        %dma_wait3A_57 = arith.constant 0 : i32
        %dma_wait3A_58 = tpu.memref_slice %arg3[%add3A_11, %dma_wait3A_57] : memref<100x3200xi32, #tpu.memory_space<hbm>> -> memref<1x3200xi32, #tpu.memory_space<hbm>>
        %dma_wait3A_59 = tpu.memref_squeeze %dma_wait3A_58 : memref<1x3200xi32, #tpu.memory_space<hbm>> -> memref<3200xi32, #tpu.memory_space<hbm>>
        tpu.wait_dma2 semaphore(%run_scoped3A : memref<!tpu.dma_semaphore, #tpu.memory_space<semaphore_mem>>) src(%dma_wait3A_59 : memref<3200xi32, #tpu.memory_space<hbm>>) dst(%arg6 : memref<3200xi32, #tpu.memory_space<vmem>>)
        tpu.yield
      }) : () -> ()
      %scan3A = arith.constant 0 : i32
      %scan3A_35 = arith.constant 0 : i32
      %scan3A_36 = arith.constant 625 : i32
      %scan3A_37 = arith.addi %scan3A_35, %scan3A_36 : i32
      %scan3A_38 = arith.constant 1 : i32
      %scan3A_39 = scf.for %scan3A_50 = %scan3A_35 to %scan3A_37 step %scan3A_38 iter_args(%scan3A_51 = %scan3A) -> (i32)  : i32 {
        %mul3A_52 = arith.constant 16 : i32
        %mul3A_53 = arith.muli %scan3A_50, %mul3A_52 : i32
        %multiple_of3A = tpu.assume_multiple %mul3A_53, 8 : i32
        %broadcast_in_dim3A_54 = arith.constant 0.000000e+00 : f32
        %broadcast_in_dim3A_55 = vector.broadcast %broadcast_in_dim3A_54 : f32 to vector<16xf32>
        %swap3A = arith.index_cast %multiple_of3A : i32 to index
        %swap3A_56 = tpu.vector_load %arg7[%swap3A] {strides = array<i32>} : memref<10000xf32, #tpu.memory_space<vmem>>, vector<16xf32>,
        tpu.vector_store %arg7[%swap3A], %broadcast_in_dim3A_55 {strides = array<i32>} : memref<10000xf32, #tpu.memory_space<vmem>>, vector<16xf32>,
        %scan3A_57 = arith.constant 0 : i32
        scf.yield %scan3A_57 : i32
      }
      %scan3A_40 = arith.constant 625 : i32
      %mul3A_41 = arith.constant 100 : i32
      %mul3A_42 = arith.muli %add3A_11, %mul3A_41 : i32
      %scan3A_43 = arith.constant 0 : i32
      %scan3A_44 = arith.constant 0 : i32
      %scan3A_45 = arith.constant 200 : i32
      %scan3A_46 = arith.addi %scan3A_44, %scan3A_45 : i32
      %scan3A_47 = arith.constant 1 : i32
      %scan3A_48 = scf.for %scan3A_50 = %scan3A_44 to %scan3A_46 step %scan3A_47 iter_args(%scan3A_51 = %scan3A_43) -> (i32)  : i32 {
        %mul3A_52 = arith.constant 16 : i32
        %mul3A_53 = arith.muli %scan3A_50, %mul3A_52 : i32
        %multiple_of3A = tpu.assume_multiple %mul3A_53, 8 : i32
        %get3A = arith.index_cast %multiple_of3A : i32 to index
        %get3A_54 = tpu.vector_load %arg5[%get3A] {strides = array<i32>} : memref<3200xi32, #tpu.memory_space<vmem>>, vector<16xi32>,
        %sub3A = vector.broadcast %mul3A_42 : i32 to vector<16xi32>
        %sub3A_55 = arith.subi %get3A_54, %sub3A : vector<16xi32>
        %get3A_56 = arith.index_cast %multiple_of3A : i32 to index
        %get3A_57 = tpu.vector_load %arg6[%get3A_56] {strides = array<i32>} : memref<3200xi32, #tpu.memory_space<vmem>>, vector<16xi32>,
        %sub3A_58 = vector.broadcast %mul3A_42 : i32 to vector<16xi32>
        %sub3A_59 = arith.subi %get3A_57, %sub3A_58 : vector<16xi32>
        %mul3A_60 = arith.constant 100 : i32
        %mul3A_61 = vector.broadcast %mul3A_60 : i32 to vector<16xi32>
        %mul3A_62 = arith.muli %sub3A_59, %mul3A_61 : vector<16xi32>
        %add3A_63 = arith.addi %mul3A_62, %sub3A_55 : vector<16xi32>
        tpu.vector_store_idx %arg7[%add3A_63], %broadcast_in_dim3A_1 {add = true} : memref<10000xf32, #tpu.memory_space<vmem>>[vector<16xi32>], vector<16xf32>,
        %scan3A_64 = arith.constant 0 : i32
        scf.yield %scan3A_64 : i32
      }
      %scan3A_49 = arith.constant 200 : i32
      "tpu.region"() ({
        %run_scoped3A = tpu.sem_alloc : memref<!tpu.dma_semaphore, #tpu.memory_space<semaphore_mem>>
        %dma_start3A = arith.constant 0 : i32
        %dma_start3A_50 = tpu.memref_slice %arg4[%add3A_11, %dma_start3A] : memref<100x10000xf32, #tpu.memory_space<hbm>> -> memref<1x10000xf32, #tpu.memory_space<hbm>>
        %dma_start3A_51 = tpu.memref_squeeze %dma_start3A_50 : memref<1x10000xf32, #tpu.memory_space<hbm>> -> memref<10000xf32, #tpu.memory_space<hbm>>
        %dma_start3A_52 = arith.constant 0 : i32
        %dma_start3A_53 = tpu.memref_slice %arg4[%add3A_11, %dma_start3A_52] : memref<100x10000xf32, #tpu.memory_space<hbm>> -> memref<1x10000xf32, #tpu.memory_space<hbm>>
        %dma_start3A_54 = tpu.memref_squeeze %dma_start3A_53 : memref<1x10000xf32, #tpu.memory_space<hbm>> -> memref<10000xf32, #tpu.memory_space<hbm>>
        tpu.enqueue_dma source(%arg7 : memref<10000xf32, #tpu.memory_space<vmem>>) target(%dma_start3A_54 : memref<10000xf32, #tpu.memory_space<hbm>>) target_semaphore(%run_scoped3A : memref<!tpu.dma_semaphore, #tpu.memory_space<semaphore_mem>>)
        %dma_wait3A = arith.constant 0 : i32
        %dma_wait3A_55 = tpu.memref_slice %arg4[%add3A_11, %dma_wait3A] : memref<100x10000xf32, #tpu.memory_space<hbm>> -> memref<1x10000xf32, #tpu.memory_space<hbm>>
        %dma_wait3A_56 = tpu.memref_squeeze %dma_wait3A_55 : memref<1x10000xf32, #tpu.memory_space<hbm>> -> memref<10000xf32, #tpu.memory_space<hbm>>
        %dma_wait3A_57 = arith.constant 0 : i32
        %dma_wait3A_58 = tpu.memref_slice %arg4[%add3A_11, %dma_wait3A_57] : memref<100x10000xf32, #tpu.memory_space<hbm>> -> memref<1x10000xf32, #tpu.memory_space<hbm>>
        %dma_wait3A_59 = tpu.memref_squeeze %dma_wait3A_58 : memref<1x10000xf32, #tpu.memory_space<hbm>> -> memref<10000xf32, #tpu.memory_space<hbm>>
        tpu.wait_dma2 semaphore(%run_scoped3A : memref<!tpu.dma_semaphore, #tpu.memory_space<semaphore_mem>>) src(%arg7 : memref<10000xf32, #tpu.memory_space<vmem>>) dst(%dma_wait3A_59 : memref<10000xf32, #tpu.memory_space<hbm>>)
        tpu.yield
      }) : () -> ()
    } else {
    }
    %mul3A_17 = arith.constant 4 : i32
    %mul3A_18 = arith.muli %add3A, %mul3A_17 : i32
    %add3A_19 = arith.constant 2 : i32
    %add3A_20 = arith.addi %mul3A_18, %add3A_19 : i32
    %lt3A_21 = arith.constant 100 : i32
    %lt3A_22 = arith.cmpi slt, %add3A_20, %lt3A_21 : i32
    %convert_element_type3A_23 = arith.extui %lt3A_22 : i1 to i32
    %cond3A_24 = arith.constant 0 : i32
    %cond3A_25 = arith.cmpi ne, %convert_element_type3A_23, %cond3A_24 : i32
    scf.if %cond3A_25 {
      "tpu.region"() ({
        %run_scoped3A = tpu.sem_alloc : memref<!tpu.dma_semaphore, #tpu.memory_space<semaphore_mem>>
        %dma_start3A = arith.constant 0 : i32
        %dma_start3A_50 = tpu.memref_slice %arg2[%add3A_20, %dma_start3A] : memref<100x3200xi32, #tpu.memory_space<hbm>> -> memref<1x3200xi32, #tpu.memory_space<hbm>>
        %dma_start3A_51 = tpu.memref_squeeze %dma_start3A_50 : memref<1x3200xi32, #tpu.memory_space<hbm>> -> memref<3200xi32, #tpu.memory_space<hbm>>
        %dma_start3A_52 = arith.constant 0 : i32
        %dma_start3A_53 = tpu.memref_slice %arg2[%add3A_20, %dma_start3A_52] : memref<100x3200xi32, #tpu.memory_space<hbm>> -> memref<1x3200xi32, #tpu.memory_space<hbm>>
        %dma_start3A_54 = tpu.memref_squeeze %dma_start3A_53 : memref<1x3200xi32, #tpu.memory_space<hbm>> -> memref<3200xi32, #tpu.memory_space<hbm>>
        tpu.enqueue_dma source(%dma_start3A_54 : memref<3200xi32, #tpu.memory_space<hbm>>) target(%arg5 : memref<3200xi32, #tpu.memory_space<vmem>>) target_semaphore(%run_scoped3A : memref<!tpu.dma_semaphore, #tpu.memory_space<semaphore_mem>>)
        %dma_wait3A = arith.constant 0 : i32
        %dma_wait3A_55 = tpu.memref_slice %arg2[%add3A_20, %dma_wait3A] : memref<100x3200xi32, #tpu.memory_space<hbm>> -> memref<1x3200xi32, #tpu.memory_space<hbm>>
        %dma_wait3A_56 = tpu.memref_squeeze %dma_wait3A_55 : memref<1x3200xi32, #tpu.memory_space<hbm>> -> memref<3200xi32, #tpu.memory_space<hbm>>
        %dma_wait3A_57 = arith.constant 0 : i32
        %dma_wait3A_58 = tpu.memref_slice %arg2[%add3A_20, %dma_wait3A_57] : memref<100x3200xi32, #tpu.memory_space<hbm>> -> memref<1x3200xi32, #tpu.memory_space<hbm>>
        %dma_wait3A_59 = tpu.memref_squeeze %dma_wait3A_58 : memref<1x3200xi32, #tpu.memory_space<hbm>> -> memref<3200xi32, #tpu.memory_space<hbm>>
        tpu.wait_dma2 semaphore(%run_scoped3A : memref<!tpu.dma_semaphore, #tpu.memory_space<semaphore_mem>>) src(%dma_wait3A_59 : memref<3200xi32, #tpu.memory_space<hbm>>) dst(%arg5 : memref<3200xi32, #tpu.memory_space<vmem>>)
        tpu.yield
      }) : () -> ()
      "tpu.region"() ({
        %run_scoped3A = tpu.sem_alloc : memref<!tpu.dma_semaphore, #tpu.memory_space<semaphore_mem>>
        %dma_start3A = arith.constant 0 : i32
        %dma_start3A_50 = tpu.memref_slice %arg3[%add3A_20, %dma_start3A] : memref<100x3200xi32, #tpu.memory_space<hbm>> -> memref<1x3200xi32, #tpu.memory_space<hbm>>
        %dma_start3A_51 = tpu.memref_squeeze %dma_start3A_50 : memref<1x3200xi32, #tpu.memory_space<hbm>> -> memref<3200xi32, #tpu.memory_space<hbm>>
        %dma_start3A_52 = arith.constant 0 : i32
        %dma_start3A_53 = tpu.memref_slice %arg3[%add3A_20, %dma_start3A_52] : memref<100x3200xi32, #tpu.memory_space<hbm>> -> memref<1x3200xi32, #tpu.memory_space<hbm>>
        %dma_start3A_54 = tpu.memref_squeeze %dma_start3A_53 : memref<1x3200xi32, #tpu.memory_space<hbm>> -> memref<3200xi32, #tpu.memory_space<hbm>>
        tpu.enqueue_dma source(%dma_start3A_54 : memref<3200xi32, #tpu.memory_space<hbm>>) target(%arg6 : memref<3200xi32, #tpu.memory_space<vmem>>) target_semaphore(%run_scoped3A : memref<!tpu.dma_semaphore, #tpu.memory_space<semaphore_mem>>)
        %dma_wait3A = arith.constant 0 : i32
        %dma_wait3A_55 = tpu.memref_slice %arg3[%add3A_20, %dma_wait3A] : memref<100x3200xi32, #tpu.memory_space<hbm>> -> memref<1x3200xi32, #tpu.memory_space<hbm>>
        %dma_wait3A_56 = tpu.memref_squeeze %dma_wait3A_55 : memref<1x3200xi32, #tpu.memory_space<hbm>> -> memref<3200xi32, #tpu.memory_space<hbm>>
        %dma_wait3A_57 = arith.constant 0 : i32
        %dma_wait3A_58 = tpu.memref_slice %arg3[%add3A_20, %dma_wait3A_57] : memref<100x3200xi32, #tpu.memory_space<hbm>> -> memref<1x3200xi32, #tpu.memory_space<hbm>>
        %dma_wait3A_59 = tpu.memref_squeeze %dma_wait3A_58 : memref<1x3200xi32, #tpu.memory_space<hbm>> -> memref<3200xi32, #tpu.memory_space<hbm>>
        tpu.wait_dma2 semaphore(%run_scoped3A : memref<!tpu.dma_semaphore, #tpu.memory_space<semaphore_mem>>) src(%dma_wait3A_59 : memref<3200xi32, #tpu.memory_space<hbm>>) dst(%arg6 : memref<3200xi32, #tpu.memory_space<vmem>>)
        tpu.yield
      }) : () -> ()
      %scan3A = arith.constant 0 : i32
      %scan3A_35 = arith.constant 0 : i32
      %scan3A_36 = arith.constant 625 : i32
      %scan3A_37 = arith.addi %scan3A_35, %scan3A_36 : i32
      %scan3A_38 = arith.constant 1 : i32
      %scan3A_39 = scf.for %scan3A_50 = %scan3A_35 to %scan3A_37 step %scan3A_38 iter_args(%scan3A_51 = %scan3A) -> (i32)  : i32 {
        %mul3A_52 = arith.constant 16 : i32
        %mul3A_53 = arith.muli %scan3A_50, %mul3A_52 : i32
        %multiple_of3A = tpu.assume_multiple %mul3A_53, 8 : i32
        %broadcast_in_dim3A_54 = arith.constant 0.000000e+00 : f32
        %broadcast_in_dim3A_55 = vector.broadcast %broadcast_in_dim3A_54 : f32 to vector<16xf32>
        %swap3A = arith.index_cast %multiple_of3A : i32 to index
        %swap3A_56 = tpu.vector_load %arg7[%swap3A] {strides = array<i32>} : memref<10000xf32, #tpu.memory_space<vmem>>, vector<16xf32>,
        tpu.vector_store %arg7[%swap3A], %broadcast_in_dim3A_55 {strides = array<i32>} : memref<10000xf32, #tpu.memory_space<vmem>>, vector<16xf32>,
        %scan3A_57 = arith.constant 0 : i32
        scf.yield %scan3A_57 : i32
      }
      %scan3A_40 = arith.constant 625 : i32
      %mul3A_41 = arith.constant 100 : i32
      %mul3A_42 = arith.muli %add3A_20, %mul3A_41 : i32
      %scan3A_43 = arith.constant 0 : i32
      %scan3A_44 = arith.constant 0 : i32
      %scan3A_45 = arith.constant 200 : i32
      %scan3A_46 = arith.addi %scan3A_44, %scan3A_45 : i32
      %scan3A_47 = arith.constant 1 : i32
      %scan3A_48 = scf.for %scan3A_50 = %scan3A_44 to %scan3A_46 step %scan3A_47 iter_args(%scan3A_51 = %scan3A_43) -> (i32)  : i32 {
        %mul3A_52 = arith.constant 16 : i32
        %mul3A_53 = arith.muli %scan3A_50, %mul3A_52 : i32
        %multiple_of3A = tpu.assume_multiple %mul3A_53, 8 : i32
        %get3A = arith.index_cast %multiple_of3A : i32 to index
        %get3A_54 = tpu.vector_load %arg5[%get3A] {strides = array<i32>} : memref<3200xi32, #tpu.memory_space<vmem>>, vector<16xi32>,
        %sub3A = vector.broadcast %mul3A_42 : i32 to vector<16xi32>
        %sub3A_55 = arith.subi %get3A_54, %sub3A : vector<16xi32>
        %get3A_56 = arith.index_cast %multiple_of3A : i32 to index
        %get3A_57 = tpu.vector_load %arg6[%get3A_56] {strides = array<i32>} : memref<3200xi32, #tpu.memory_space<vmem>>, vector<16xi32>,
        %sub3A_58 = vector.broadcast %mul3A_42 : i32 to vector<16xi32>
        %sub3A_59 = arith.subi %get3A_57, %sub3A_58 : vector<16xi32>
        %mul3A_60 = arith.constant 100 : i32
        %mul3A_61 = vector.broadcast %mul3A_60 : i32 to vector<16xi32>
        %mul3A_62 = arith.muli %sub3A_59, %mul3A_61 : vector<16xi32>
        %add3A_63 = arith.addi %mul3A_62, %sub3A_55 : vector<16xi32>
        tpu.vector_store_idx %arg7[%add3A_63], %broadcast_in_dim3A_1 {add = true} : memref<10000xf32, #tpu.memory_space<vmem>>[vector<16xi32>], vector<16xf32>,
        %scan3A_64 = arith.constant 0 : i32
        scf.yield %scan3A_64 : i32
      }
      %scan3A_49 = arith.constant 200 : i32
      "tpu.region"() ({
        %run_scoped3A = tpu.sem_alloc : memref<!tpu.dma_semaphore, #tpu.memory_space<semaphore_mem>>
        %dma_start3A = arith.constant 0 : i32
        %dma_start3A_50 = tpu.memref_slice %arg4[%add3A_20, %dma_start3A] : memref<100x10000xf32, #tpu.memory_space<hbm>> -> memref<1x10000xf32, #tpu.memory_space<hbm>>
        %dma_start3A_51 = tpu.memref_squeeze %dma_start3A_50 : memref<1x10000xf32, #tpu.memory_space<hbm>> -> memref<10000xf32, #tpu.memory_space<hbm>>
        %dma_start3A_52 = arith.constant 0 : i32
        %dma_start3A_53 = tpu.memref_slice %arg4[%add3A_20, %dma_start3A_52] : memref<100x10000xf32, #tpu.memory_space<hbm>> -> memref<1x10000xf32, #tpu.memory_space<hbm>>
        %dma_start3A_54 = tpu.memref_squeeze %dma_start3A_53 : memref<1x10000xf32, #tpu.memory_space<hbm>> -> memref<10000xf32, #tpu.memory_space<hbm>>
        tpu.enqueue_dma source(%arg7 : memref<10000xf32, #tpu.memory_space<vmem>>) target(%dma_start3A_54 : memref<10000xf32, #tpu.memory_space<hbm>>) target_semaphore(%run_scoped3A : memref<!tpu.dma_semaphore, #tpu.memory_space<semaphore_mem>>)
        %dma_wait3A = arith.constant 0 : i32
        %dma_wait3A_55 = tpu.memref_slice %arg4[%add3A_20, %dma_wait3A] : memref<100x10000xf32, #tpu.memory_space<hbm>> -> memref<1x10000xf32, #tpu.memory_space<hbm>>
        %dma_wait3A_56 = tpu.memref_squeeze %dma_wait3A_55 : memref<1x10000xf32, #tpu.memory_space<hbm>> -> memref<10000xf32, #tpu.memory_space<hbm>>
        %dma_wait3A_57 = arith.constant 0 : i32
        %dma_wait3A_58 = tpu.memref_slice %arg4[%add3A_20, %dma_wait3A_57] : memref<100x10000xf32, #tpu.memory_space<hbm>> -> memref<1x10000xf32, #tpu.memory_space<hbm>>
        %dma_wait3A_59 = tpu.memref_squeeze %dma_wait3A_58 : memref<1x10000xf32, #tpu.memory_space<hbm>> -> memref<10000xf32, #tpu.memory_space<hbm>>
        tpu.wait_dma2 semaphore(%run_scoped3A : memref<!tpu.dma_semaphore, #tpu.memory_space<semaphore_mem>>) src(%arg7 : memref<10000xf32, #tpu.memory_space<vmem>>) dst(%dma_wait3A_59 : memref<10000xf32, #tpu.memory_space<hbm>>)
        tpu.yield
      }) : () -> ()
    } else {
    }
    %mul3A_26 = arith.constant 4 : i32
    %mul3A_27 = arith.muli %add3A, %mul3A_26 : i32
    %add3A_28 = arith.constant 3 : i32
    %add3A_29 = arith.addi %mul3A_27, %add3A_28 : i32
    %lt3A_30 = arith.constant 100 : i32
    %lt3A_31 = arith.cmpi slt, %add3A_29, %lt3A_30 : i32
    %convert_element_type3A_32 = arith.extui %lt3A_31 : i1 to i32
    %cond3A_33 = arith.constant 0 : i32
    %cond3A_34 = arith.cmpi ne, %convert_element_type3A_32, %cond3A_33 : i32
    scf.if %cond3A_34 {
      "tpu.region"() ({
        %run_scoped3A = tpu.sem_alloc : memref<!tpu.dma_semaphore, #tpu.memory_space<semaphore_mem>>
        %dma_start3A = arith.constant 0 : i32
        %dma_start3A_50 = tpu.memref_slice %arg2[%add3A_29, %dma_start3A] : memref<100x3200xi32, #tpu.memory_space<hbm>> -> memref<1x3200xi32, #tpu.memory_space<hbm>>
        %dma_start3A_51 = tpu.memref_squeeze %dma_start3A_50 : memref<1x3200xi32, #tpu.memory_space<hbm>> -> memref<3200xi32, #tpu.memory_space<hbm>>
        %dma_start3A_52 = arith.constant 0 : i32
        %dma_start3A_53 = tpu.memref_slice %arg2[%add3A_29, %dma_start3A_52] : memref<100x3200xi32, #tpu.memory_space<hbm>> -> memref<1x3200xi32, #tpu.memory_space<hbm>>
        %dma_start3A_54 = tpu.memref_squeeze %dma_start3A_53 : memref<1x3200xi32, #tpu.memory_space<hbm>> -> memref<3200xi32, #tpu.memory_space<hbm>>
        tpu.enqueue_dma source(%dma_start3A_54 : memref<3200xi32, #tpu.memory_space<hbm>>) target(%arg5 : memref<3200xi32, #tpu.memory_space<vmem>>) target_semaphore(%run_scoped3A : memref<!tpu.dma_semaphore, #tpu.memory_space<semaphore_mem>>)
        %dma_wait3A = arith.constant 0 : i32
        %dma_wait3A_55 = tpu.memref_slice %arg2[%add3A_29, %dma_wait3A] : memref<100x3200xi32, #tpu.memory_space<hbm>> -> memref<1x3200xi32, #tpu.memory_space<hbm>>
        %dma_wait3A_56 = tpu.memref_squeeze %dma_wait3A_55 : memref<1x3200xi32, #tpu.memory_space<hbm>> -> memref<3200xi32, #tpu.memory_space<hbm>>
        %dma_wait3A_57 = arith.constant 0 : i32
        %dma_wait3A_58 = tpu.memref_slice %arg2[%add3A_29, %dma_wait3A_57] : memref<100x3200xi32, #tpu.memory_space<hbm>> -> memref<1x3200xi32, #tpu.memory_space<hbm>>
        %dma_wait3A_59 = tpu.memref_squeeze %dma_wait3A_58 : memref<1x3200xi32, #tpu.memory_space<hbm>> -> memref<3200xi32, #tpu.memory_space<hbm>>
        tpu.wait_dma2 semaphore(%run_scoped3A : memref<!tpu.dma_semaphore, #tpu.memory_space<semaphore_mem>>) src(%dma_wait3A_59 : memref<3200xi32, #tpu.memory_space<hbm>>) dst(%arg5 : memref<3200xi32, #tpu.memory_space<vmem>>)
        tpu.yield
      }) : () -> ()
      "tpu.region"() ({
        %run_scoped3A = tpu.sem_alloc : memref<!tpu.dma_semaphore, #tpu.memory_space<semaphore_mem>>
        %dma_start3A = arith.constant 0 : i32
        %dma_start3A_50 = tpu.memref_slice %arg3[%add3A_29, %dma_start3A] : memref<100x3200xi32, #tpu.memory_space<hbm>> -> memref<1x3200xi32, #tpu.memory_space<hbm>>
        %dma_start3A_51 = tpu.memref_squeeze %dma_start3A_50 : memref<1x3200xi32, #tpu.memory_space<hbm>> -> memref<3200xi32, #tpu.memory_space<hbm>>
        %dma_start3A_52 = arith.constant 0 : i32
        %dma_start3A_53 = tpu.memref_slice %arg3[%add3A_29, %dma_start3A_52] : memref<100x3200xi32, #tpu.memory_space<hbm>> -> memref<1x3200xi32, #tpu.memory_space<hbm>>
        %dma_start3A_54 = tpu.memref_squeeze %dma_start3A_53 : memref<1x3200xi32, #tpu.memory_space<hbm>> -> memref<3200xi32, #tpu.memory_space<hbm>>
        tpu.enqueue_dma source(%dma_start3A_54 : memref<3200xi32, #tpu.memory_space<hbm>>) target(%arg6 : memref<3200xi32, #tpu.memory_space<vmem>>) target_semaphore(%run_scoped3A : memref<!tpu.dma_semaphore, #tpu.memory_space<semaphore_mem>>)
        %dma_wait3A = arith.constant 0 : i32
        %dma_wait3A_55 = tpu.memref_slice %arg3[%add3A_29, %dma_wait3A] : memref<100x3200xi32, #tpu.memory_space<hbm>> -> memref<1x3200xi32, #tpu.memory_space<hbm>>
        %dma_wait3A_56 = tpu.memref_squeeze %dma_wait3A_55 : memref<1x3200xi32, #tpu.memory_space<hbm>> -> memref<3200xi32, #tpu.memory_space<hbm>>
        %dma_wait3A_57 = arith.constant 0 : i32
        %dma_wait3A_58 = tpu.memref_slice %arg3[%add3A_29, %dma_wait3A_57] : memref<100x3200xi32, #tpu.memory_space<hbm>> -> memref<1x3200xi32, #tpu.memory_space<hbm>>
        %dma_wait3A_59 = tpu.memref_squeeze %dma_wait3A_58 : memref<1x3200xi32, #tpu.memory_space<hbm>> -> memref<3200xi32, #tpu.memory_space<hbm>>
        tpu.wait_dma2 semaphore(%run_scoped3A : memref<!tpu.dma_semaphore, #tpu.memory_space<semaphore_mem>>) src(%dma_wait3A_59 : memref<3200xi32, #tpu.memory_space<hbm>>) dst(%arg6 : memref<3200xi32, #tpu.memory_space<vmem>>)
        tpu.yield
      }) : () -> ()
      %scan3A = arith.constant 0 : i32
      %scan3A_35 = arith.constant 0 : i32
      %scan3A_36 = arith.constant 625 : i32
      %scan3A_37 = arith.addi %scan3A_35, %scan3A_36 : i32
      %scan3A_38 = arith.constant 1 : i32
      %scan3A_39 = scf.for %scan3A_50 = %scan3A_35 to %scan3A_37 step %scan3A_38 iter_args(%scan3A_51 = %scan3A) -> (i32)  : i32 {
        %mul3A_52 = arith.constant 16 : i32
        %mul3A_53 = arith.muli %scan3A_50, %mul3A_52 : i32
        %multiple_of3A = tpu.assume_multiple %mul3A_53, 8 : i32
        %broadcast_in_dim3A_54 = arith.constant 0.000000e+00 : f32
        %broadcast_in_dim3A_55 = vector.broadcast %broadcast_in_dim3A_54 : f32 to vector<16xf32>
        %swap3A = arith.index_cast %multiple_of3A : i32 to index
        %swap3A_56 = tpu.vector_load %arg7[%swap3A] {strides = array<i32>} : memref<10000xf32, #tpu.memory_space<vmem>>, vector<16xf32>,
        tpu.vector_store %arg7[%swap3A], %broadcast_in_dim3A_55 {strides = array<i32>} : memref<10000xf32, #tpu.memory_space<vmem>>, vector<16xf32>,
        %scan3A_57 = arith.constant 0 : i32
        scf.yield %scan3A_57 : i32
      }
      %scan3A_40 = arith.constant 625 : i32
      %mul3A_41 = arith.constant 100 : i32
      %mul3A_42 = arith.muli %add3A_29, %mul3A_41 : i32
      %scan3A_43 = arith.constant 0 : i32
      %scan3A_44 = arith.constant 0 : i32
      %scan3A_45 = arith.constant 200 : i32
      %scan3A_46 = arith.addi %scan3A_44, %scan3A_45 : i32
      %scan3A_47 = arith.constant 1 : i32
      %scan3A_48 = scf.for %scan3A_50 = %scan3A_44 to %scan3A_46 step %scan3A_47 iter_args(%scan3A_51 = %scan3A_43) -> (i32)  : i32 {
        %mul3A_52 = arith.constant 16 : i32
        %mul3A_53 = arith.muli %scan3A_50, %mul3A_52 : i32
        %multiple_of3A = tpu.assume_multiple %mul3A_53, 8 : i32
        %get3A = arith.index_cast %multiple_of3A : i32 to index
        %get3A_54 = tpu.vector_load %arg5[%get3A] {strides = array<i32>} : memref<3200xi32, #tpu.memory_space<vmem>>, vector<16xi32>,
        %sub3A = vector.broadcast %mul3A_42 : i32 to vector<16xi32>
        %sub3A_55 = arith.subi %get3A_54, %sub3A : vector<16xi32>
        %get3A_56 = arith.index_cast %multiple_of3A : i32 to index
        %get3A_57 = tpu.vector_load %arg6[%get3A_56] {strides = array<i32>} : memref<3200xi32, #tpu.memory_space<vmem>>, vector<16xi32>,
        %sub3A_58 = vector.broadcast %mul3A_42 : i32 to vector<16xi32>
        %sub3A_59 = arith.subi %get3A_57, %sub3A_58 : vector<16xi32>
        %mul3A_60 = arith.constant 100 : i32
        %mul3A_61 = vector.broadcast %mul3A_60 : i32 to vector<16xi32>
        %mul3A_62 = arith.muli %sub3A_59, %mul3A_61 : vector<16xi32>
        %add3A_63 = arith.addi %mul3A_62, %sub3A_55 : vector<16xi32>
        tpu.vector_store_idx %arg7[%add3A_63], %broadcast_in_dim3A_1 {add = true} : memref<10000xf32, #tpu.memory_space<vmem>>[vector<16xi32>], vector<16xf32>,
        %scan3A_64 = arith.constant 0 : i32
        scf.yield %scan3A_64 : i32
      }
      %scan3A_49 = arith.constant 200 : i32
      "tpu.region"() ({
        %run_scoped3A = tpu.sem_alloc : memref<!tpu.dma_semaphore, #tpu.memory_space<semaphore_mem>>
        %dma_start3A = arith.constant 0 : i32
        %dma_start3A_50 = tpu.memref_slice %arg4[%add3A_29, %dma_start3A] : memref<100x10000xf32, #tpu.memory_space<hbm>> -> memref<1x10000xf32, #tpu.memory_space<hbm>>
        %dma_start3A_51 = tpu.memref_squeeze %dma_start3A_50 : memref<1x10000xf32, #tpu.memory_space<hbm>> -> memref<10000xf32, #tpu.memory_space<hbm>>
        %dma_start3A_52 = arith.constant 0 : i32
        %dma_start3A_53 = tpu.memref_slice %arg4[%add3A_29, %dma_start3A_52] : memref<100x10000xf32, #tpu.memory_space<hbm>> -> memref<1x10000xf32, #tpu.memory_space<hbm>>
        %dma_start3A_54 = tpu.memref_squeeze %dma_start3A_53 : memref<1x10000xf32, #tpu.memory_space<hbm>> -> memref<10000xf32, #tpu.memory_space<hbm>>
        tpu.enqueue_dma source(%arg7 : memref<10000xf32, #tpu.memory_space<vmem>>) target(%dma_start3A_54 : memref<10000xf32, #tpu.memory_space<hbm>>) target_semaphore(%run_scoped3A : memref<!tpu.dma_semaphore, #tpu.memory_space<semaphore_mem>>)
        %dma_wait3A = arith.constant 0 : i32
        %dma_wait3A_55 = tpu.memref_slice %arg4[%add3A_29, %dma_wait3A] : memref<100x10000xf32, #tpu.memory_space<hbm>> -> memref<1x10000xf32, #tpu.memory_space<hbm>>
        %dma_wait3A_56 = tpu.memref_squeeze %dma_wait3A_55 : memref<1x10000xf32, #tpu.memory_space<hbm>> -> memref<10000xf32, #tpu.memory_space<hbm>>
        %dma_wait3A_57 = arith.constant 0 : i32
        %dma_wait3A_58 = tpu.memref_slice %arg4[%add3A_29, %dma_wait3A_57] : memref<100x10000xf32, #tpu.memory_space<hbm>> -> memref<1x10000xf32, #tpu.memory_space<hbm>>
        %dma_wait3A_59 = tpu.memref_squeeze %dma_wait3A_58 : memref<1x10000xf32, #tpu.memory_space<hbm>> -> memref<10000xf32, #tpu.memory_space<hbm>>
        tpu.wait_dma2 semaphore(%run_scoped3A : memref<!tpu.dma_semaphore, #tpu.memory_space<semaphore_mem>>) src(%arg7 : memref<10000xf32, #tpu.memory_space<vmem>>) dst(%dma_wait3A_59 : memref<10000xf32, #tpu.memory_space<hbm>>)
        tpu.yield
      }) : () -> ()
    } else {
    }
    return
  }
}

module attributes {stable_mosaic.version = 14 : i64} {
  func.func @_sag_body(%arg0: i32, %arg1: memref<1x5x100x128xf32, #tpu.memory_space<vmem>>, %arg2: memref<1x5x100x100xf32, #tpu.memory_space<vmem>>, %arg3: memref<128x128xf32, #tpu.memory_space<vmem>>, %arg4: memref<1x128xf32, #tpu.memory_space<vmem>>, %arg5: memref<128x128xf32, #tpu.memory_space<vmem>>, %arg6: memref<1x128xf32, #tpu.memory_space<vmem>>, %arg7: memref<128x128xf32, #tpu.memory_space<vmem>>, %arg8: memref<1x128xf32, #tpu.memory_space<vmem>>, %arg9: memref<128x1xf32, #tpu.memory_space<vmem>>, %arg10: memref<1x1xf32, #tpu.memory_space<vmem>>, %arg11: memref<128x1xf32, #tpu.memory_space<vmem>>, %arg12: memref<1x1xf32, #tpu.memory_space<vmem>>, %arg13: memref<384x128xf32, #tpu.memory_space<vmem>>, %arg14: memref<1x128xf32, #tpu.memory_space<vmem>>, %arg15: memref<128x64xf32, #tpu.memory_space<vmem>>, %arg16: memref<1x64xf32, #tpu.memory_space<vmem>>, %arg17: memref<64x10xf32, #tpu.memory_space<vmem>>, %arg18: memref<1x10xf32, #tpu.memory_space<vmem>>, %arg19: memref<1x5x10xf32, #tpu.memory_space<vmem>>, %arg20: memref<640x640xf32, #tpu.memory_space<vmem>>, %arg21: memref<640x128xf32, #tpu.memory_space<vmem>>) attributes {dimension_semantics = [#tpu.dimension_semantics<arbitrary>], iteration_bounds = array<i64: 20>, scalar_prefetch = 0 : i64, scratch_operands = 2 : i64, tpu.core_type = #tpu.core_type<tc>, window_params = [{transform_indices = @transform_0, window_bounds = array<i64: 1, 5, 100, 128>}, {transform_indices = @transform_1, window_bounds = array<i64: 1, 5, 100, 100>}, {pipeline_mode = #tpu.pipeline_mode<synchronous>, transform_indices = @transform_2, window_bounds = array<i64: 128, 128>}, {pipeline_mode = #tpu.pipeline_mode<synchronous>, transform_indices = @transform_3, window_bounds = array<i64: 1, 128>}, {pipeline_mode = #tpu.pipeline_mode<synchronous>, transform_indices = @transform_4, window_bounds = array<i64: 128, 128>}, {pipeline_mode = #tpu.pipeline_mode<synchronous>, transform_indices = @transform_5, window_bounds = array<i64: 1, 128>}, {pipeline_mode = #tpu.pipeline_mode<synchronous>, transform_indices = @transform_6, window_bounds = array<i64: 128, 128>}, {pipeline_mode = #tpu.pipeline_mode<synchronous>, transform_indices = @transform_7, window_bounds = array<i64: 1, 128>}, {pipeline_mode = #tpu.pipeline_mode<synchronous>, transform_indices = @transform_8, window_bounds = array<i64: 128, 1>}, {pipeline_mode = #tpu.pipeline_mode<synchronous>, transform_indices = @transform_9, window_bounds = array<i64: 1, 1>}, {pipeline_mode = #tpu.pipeline_mode<synchronous>, transform_indices = @transform_10, window_bounds = array<i64: 128, 1>}, {pipeline_mode = #tpu.pipeline_mode<synchronous>, transform_indices = @transform_11, window_bounds = array<i64: 1, 1>}, {pipeline_mode = #tpu.pipeline_mode<synchronous>, transform_indices = @transform_12, window_bounds = array<i64: 384, 128>}, {pipeline_mode = #tpu.pipeline_mode<synchronous>, transform_indices = @transform_13, window_bounds = array<i64: 1, 128>}, {pipeline_mode = #tpu.pipeline_mode<synchronous>, transform_indices = @transform_14, window_bounds = array<i64: 128, 64>}, {pipeline_mode = #tpu.pipeline_mode<synchronous>, transform_indices = @transform_15, window_bounds = array<i64: 1, 64>}, {pipeline_mode = #tpu.pipeline_mode<synchronous>, transform_indices = @transform_16, window_bounds = array<i64: 64, 10>}, {pipeline_mode = #tpu.pipeline_mode<synchronous>, transform_indices = @transform_17, window_bounds = array<i64: 1, 10>}, {transform_indices = @transform_18, window_bounds = array<i64: 1, 5, 10>}]} {
    %eq3A = arith.constant 0 : i32
    %eq3A_0 = arith.cmpi eq, %arg0, %eq3A : i32
    %convert_element_type3A = arith.extui %eq3A_0 : i1 to i32
    %cond3A = arith.constant 0 : i32
    %cond3A_1 = arith.cmpi ne, %convert_element_type3A, %cond3A : i32
    scf.if %cond3A_1 {
      %broadcast_in_dim3A_556 = arith.constant 0.000000e+00 : f32
      %broadcast_in_dim3A_557 = vector.broadcast %broadcast_in_dim3A_556 : f32 to vector<640x640xf32>
      %swap3A_558 = arith.constant 0 : index
      %swap3A_559 = arith.constant 0 : index
      %swap3A_560 = vector.load %arg20[%swap3A_558, %swap3A_559] : memref<640x640xf32, #tpu.memory_space<vmem>>, vector<640x640xf32>
      tpu.vector_store %arg20[%swap3A_558, %swap3A_559], %broadcast_in_dim3A_557 {strides = array<i32>} : memref<640x640xf32, #tpu.memory_space<vmem>>, vector<640x640xf32>,
      %broadcast_in_dim3A_561 = arith.constant 0.000000e+00 : f32
      %broadcast_in_dim3A_562 = vector.broadcast %broadcast_in_dim3A_561 : f32 to vector<640x128xf32>
      %swap3A_563 = arith.constant 0 : index
      %swap3A_564 = arith.constant 0 : index
      %swap3A_565 = vector.load %arg21[%swap3A_563, %swap3A_564] : memref<640x128xf32, #tpu.memory_space<vmem>>, vector<640x128xf32>
      tpu.vector_store %arg21[%swap3A_563, %swap3A_564], %broadcast_in_dim3A_562 {strides = array<i32>} : memref<640x128xf32, #tpu.memory_space<vmem>>, vector<640x128xf32>,
    } else {
    }
    %get3A = arith.constant 0 : index
    %get3A_2 = arith.constant 0 : index
    %get3A_3 = arith.constant 0 : index
    %get3A_4 = arith.constant 0 : index
    %get3A_5 = vector.load %arg2[%get3A, %get3A_2, %get3A_3, %get3A_4] : memref<1x5x100x100xf32, #tpu.memory_space<vmem>>, vector<1x1x100x100xf32>
    %get3A_6 = vector.shape_cast %get3A_5 : vector<1x1x100x100xf32> to vector<100x100xf32>
    %swap3A = arith.constant 0 : index
    %swap3A_7 = arith.constant 0 : index
    %swap3A_8 = vector.load %arg20[%swap3A, %swap3A_7] : memref<640x640xf32, #tpu.memory_space<vmem>>, vector<100x100xf32>
    tpu.vector_store %arg20[%swap3A, %swap3A_7], %get3A_6 {strides = array<i32>} : memref<640x640xf32, #tpu.memory_space<vmem>>, vector<100x100xf32>,
    %get3A_9 = arith.constant 0 : index
    %get3A_10 = arith.constant 0 : index
    %get3A_11 = arith.constant 0 : index
    %get3A_12 = arith.constant 0 : index
    %get3A_13 = vector.load %arg1[%get3A_9, %get3A_10, %get3A_11, %get3A_12] : memref<1x5x100x128xf32, #tpu.memory_space<vmem>>, vector<1x1x100x128xf32>
    %get3A_14 = vector.shape_cast %get3A_13 : vector<1x1x100x128xf32> to vector<100x128xf32>
    %swap3A_15 = arith.constant 0 : index
    %swap3A_16 = arith.constant 0 : index
    %swap3A_17 = vector.load %arg21[%swap3A_15, %swap3A_16] : memref<640x128xf32, #tpu.memory_space<vmem>>, vector<100x128xf32>
    tpu.vector_store %arg21[%swap3A_15, %swap3A_16], %get3A_14 {strides = array<i32>} : memref<640x128xf32, #tpu.memory_space<vmem>>, vector<100x128xf32>,
    %get3A_18 = arith.constant 0 : index
    %get3A_19 = arith.constant 1 : index
    %get3A_20 = arith.constant 0 : index
    %get3A_21 = arith.constant 0 : index
    %get3A_22 = vector.load %arg2[%get3A_18, %get3A_19, %get3A_20, %get3A_21] : memref<1x5x100x100xf32, #tpu.memory_space<vmem>>, vector<1x1x100x100xf32>
    %get3A_23 = vector.shape_cast %get3A_22 : vector<1x1x100x100xf32> to vector<100x100xf32>
    %swap3A_24 = arith.constant 128 : index
    %swap3A_25 = arith.constant 128 : index
    %swap3A_26 = vector.load %arg20[%swap3A_24, %swap3A_25] : memref<640x640xf32, #tpu.memory_space<vmem>>, vector<100x100xf32>
    tpu.vector_store %arg20[%swap3A_24, %swap3A_25], %get3A_23 {strides = array<i32>} : memref<640x640xf32, #tpu.memory_space<vmem>>, vector<100x100xf32>,
    %get3A_27 = arith.constant 0 : index
    %get3A_28 = arith.constant 1 : index
    %get3A_29 = arith.constant 0 : index
    %get3A_30 = arith.constant 0 : index
    %get3A_31 = vector.load %arg1[%get3A_27, %get3A_28, %get3A_29, %get3A_30] : memref<1x5x100x128xf32, #tpu.memory_space<vmem>>, vector<1x1x100x128xf32>
    %get3A_32 = vector.shape_cast %get3A_31 : vector<1x1x100x128xf32> to vector<100x128xf32>
    %swap3A_33 = arith.constant 128 : index
    %swap3A_34 = arith.constant 0 : index
    %swap3A_35 = vector.load %arg21[%swap3A_33, %swap3A_34] : memref<640x128xf32, #tpu.memory_space<vmem>>, vector<100x128xf32>
    tpu.vector_store %arg21[%swap3A_33, %swap3A_34], %get3A_32 {strides = array<i32>} : memref<640x128xf32, #tpu.memory_space<vmem>>, vector<100x128xf32>,
    %get3A_36 = arith.constant 0 : index
    %get3A_37 = arith.constant 2 : index
    %get3A_38 = arith.constant 0 : index
    %get3A_39 = arith.constant 0 : index
    %get3A_40 = vector.load %arg2[%get3A_36, %get3A_37, %get3A_38, %get3A_39] : memref<1x5x100x100xf32, #tpu.memory_space<vmem>>, vector<1x1x100x100xf32>
    %get3A_41 = vector.shape_cast %get3A_40 : vector<1x1x100x100xf32> to vector<100x100xf32>
    %swap3A_42 = arith.constant 256 : index
    %swap3A_43 = arith.constant 256 : index
    %swap3A_44 = vector.load %arg20[%swap3A_42, %swap3A_43] : memref<640x640xf32, #tpu.memory_space<vmem>>, vector<100x100xf32>
    tpu.vector_store %arg20[%swap3A_42, %swap3A_43], %get3A_41 {strides = array<i32>} : memref<640x640xf32, #tpu.memory_space<vmem>>, vector<100x100xf32>,
    %get3A_45 = arith.constant 0 : index
    %get3A_46 = arith.constant 2 : index
    %get3A_47 = arith.constant 0 : index
    %get3A_48 = arith.constant 0 : index
    %get3A_49 = vector.load %arg1[%get3A_45, %get3A_46, %get3A_47, %get3A_48] : memref<1x5x100x128xf32, #tpu.memory_space<vmem>>, vector<1x1x100x128xf32>
    %get3A_50 = vector.shape_cast %get3A_49 : vector<1x1x100x128xf32> to vector<100x128xf32>
    %swap3A_51 = arith.constant 256 : index
    %swap3A_52 = arith.constant 0 : index
    %swap3A_53 = vector.load %arg21[%swap3A_51, %swap3A_52] : memref<640x128xf32, #tpu.memory_space<vmem>>, vector<100x128xf32>
    tpu.vector_store %arg21[%swap3A_51, %swap3A_52], %get3A_50 {strides = array<i32>} : memref<640x128xf32, #tpu.memory_space<vmem>>, vector<100x128xf32>,
    %get3A_54 = arith.constant 0 : index
    %get3A_55 = arith.constant 3 : index
    %get3A_56 = arith.constant 0 : index
    %get3A_57 = arith.constant 0 : index
    %get3A_58 = vector.load %arg2[%get3A_54, %get3A_55, %get3A_56, %get3A_57] : memref<1x5x100x100xf32, #tpu.memory_space<vmem>>, vector<1x1x100x100xf32>
    %get3A_59 = vector.shape_cast %get3A_58 : vector<1x1x100x100xf32> to vector<100x100xf32>
    %swap3A_60 = arith.constant 384 : index
    %swap3A_61 = arith.constant 384 : index
    %swap3A_62 = vector.load %arg20[%swap3A_60, %swap3A_61] : memref<640x640xf32, #tpu.memory_space<vmem>>, vector<100x100xf32>
    tpu.vector_store %arg20[%swap3A_60, %swap3A_61], %get3A_59 {strides = array<i32>} : memref<640x640xf32, #tpu.memory_space<vmem>>, vector<100x100xf32>,
    %get3A_63 = arith.constant 0 : index
    %get3A_64 = arith.constant 3 : index
    %get3A_65 = arith.constant 0 : index
    %get3A_66 = arith.constant 0 : index
    %get3A_67 = vector.load %arg1[%get3A_63, %get3A_64, %get3A_65, %get3A_66] : memref<1x5x100x128xf32, #tpu.memory_space<vmem>>, vector<1x1x100x128xf32>
    %get3A_68 = vector.shape_cast %get3A_67 : vector<1x1x100x128xf32> to vector<100x128xf32>
    %swap3A_69 = arith.constant 384 : index
    %swap3A_70 = arith.constant 0 : index
    %swap3A_71 = vector.load %arg21[%swap3A_69, %swap3A_70] : memref<640x128xf32, #tpu.memory_space<vmem>>, vector<100x128xf32>
    tpu.vector_store %arg21[%swap3A_69, %swap3A_70], %get3A_68 {strides = array<i32>} : memref<640x128xf32, #tpu.memory_space<vmem>>, vector<100x128xf32>,
    %get3A_72 = arith.constant 0 : index
    %get3A_73 = arith.constant 4 : index
    %get3A_74 = arith.constant 0 : index
    %get3A_75 = arith.constant 0 : index
    %get3A_76 = vector.load %arg2[%get3A_72, %get3A_73, %get3A_74, %get3A_75] : memref<1x5x100x100xf32, #tpu.memory_space<vmem>>, vector<1x1x100x100xf32>
    %get3A_77 = vector.shape_cast %get3A_76 : vector<1x1x100x100xf32> to vector<100x100xf32>
    %swap3A_78 = arith.constant 512 : index
    %swap3A_79 = arith.constant 512 : index
    %swap3A_80 = vector.load %arg20[%swap3A_78, %swap3A_79] : memref<640x640xf32, #tpu.memory_space<vmem>>, vector<100x100xf32>
    tpu.vector_store %arg20[%swap3A_78, %swap3A_79], %get3A_77 {strides = array<i32>} : memref<640x640xf32, #tpu.memory_space<vmem>>, vector<100x100xf32>,
    %get3A_81 = arith.constant 0 : index
    %get3A_82 = arith.constant 4 : index
    %get3A_83 = arith.constant 0 : index
    %get3A_84 = arith.constant 0 : index
    %get3A_85 = vector.load %arg1[%get3A_81, %get3A_82, %get3A_83, %get3A_84] : memref<1x5x100x128xf32, #tpu.memory_space<vmem>>, vector<1x1x100x128xf32>
    %get3A_86 = vector.shape_cast %get3A_85 : vector<1x1x100x128xf32> to vector<100x128xf32>
    %swap3A_87 = arith.constant 512 : index
    %swap3A_88 = arith.constant 0 : index
    %swap3A_89 = vector.load %arg21[%swap3A_87, %swap3A_88] : memref<640x128xf32, #tpu.memory_space<vmem>>, vector<100x128xf32>
    tpu.vector_store %arg21[%swap3A_87, %swap3A_88], %get3A_86 {strides = array<i32>} : memref<640x128xf32, #tpu.memory_space<vmem>>, vector<100x128xf32>,
    %get3A_90 = arith.constant 0 : index
    %get3A_91 = arith.constant 0 : index
    %get3A_92 = vector.load %arg20[%get3A_90, %get3A_91] : memref<640x640xf32, #tpu.memory_space<vmem>>, vector<640x640xf32>
    %iota3A = tpu.iota {dimensions = array<i32: 0>} : vector<640x640xi32>
    %iota3A_93 = tpu.iota {dimensions = array<i32: 1>} : vector<640x640xi32>
    %shift_right_arithmetic3A = arith.constant 7 : i32
    %shift_right_arithmetic3A_94 = vector.broadcast %shift_right_arithmetic3A : i32 to vector<640x640xi32>
    %shift_right_arithmetic3A_95 = arith.shrsi %iota3A, %shift_right_arithmetic3A_94 : vector<640x640xi32>
    %shift_right_arithmetic3A_96 = arith.constant 7 : i32
    %shift_right_arithmetic3A_97 = vector.broadcast %shift_right_arithmetic3A_96 : i32 to vector<640x640xi32>
    %shift_right_arithmetic3A_98 = arith.shrsi %iota3A_93, %shift_right_arithmetic3A_97 : vector<640x640xi32>
    %eq3A_99 = arith.cmpi eq, %shift_right_arithmetic3A_95, %shift_right_arithmetic3A_98 : vector<640x640xi32>
    %lt3A = arith.cmpi slt, %iota3A_93, %iota3A : vector<640x640xi32>
    %and3A = arith.andi %eq3A_99, %lt3A : vector<640x640xi1>
    %shift_right_arithmetic3A_100 = arith.constant 7 : i32
    %shift_right_arithmetic3A_101 = vector.broadcast %shift_right_arithmetic3A_100 : i32 to vector<640x640xi32>
    %shift_right_arithmetic3A_102 = arith.shrsi %iota3A, %shift_right_arithmetic3A_101 : vector<640x640xi32>
    %shift_right_arithmetic3A_103 = arith.constant 7 : i32
    %shift_right_arithmetic3A_104 = vector.broadcast %shift_right_arithmetic3A_103 : i32 to vector<640x640xi32>
    %shift_right_arithmetic3A_105 = arith.shrsi %iota3A_93, %shift_right_arithmetic3A_104 : vector<640x640xi32>
    %eq3A_106 = arith.cmpi eq, %shift_right_arithmetic3A_102, %shift_right_arithmetic3A_105 : vector<640x640xi32>
    %iota3A_107 = tpu.iota {dimensions = array<i32: 0>} : vector<640x1xi32>
    %jit3A = arith.constant 128 : i32
    %eq3A_108 = arith.constant 0 : i32
    %eq3A_109 = arith.cmpi eq, %jit3A, %eq3A_108 : i32
    %jit3A_110 = arith.constant 1 : i32
    %select_n3A = arith.select %eq3A_109, %jit3A_110, %jit3A : i32
    %rem3A = vector.broadcast %select_n3A : i32 to vector<640x1xi32>
    %rem3A_111 = arith.remsi %iota3A_107, %rem3A : vector<640x1xi32>
    %ne3A = arith.constant 0 : i32
    %ne3A_112 = vector.broadcast %ne3A : i32 to vector<640x1xi32>
    %ne3A_113 = arith.cmpi ne, %rem3A_111, %ne3A_112 : vector<640x1xi32>
    %lt3A_114 = arith.constant 0 : i32
    %lt3A_115 = vector.broadcast %lt3A_114 : i32 to vector<640x1xi32>
    %lt3A_116 = arith.cmpi slt, %rem3A_111, %lt3A_115 : vector<640x1xi32>
    %lt3A_117 = arith.constant 0 : i32
    %lt3A_118 = arith.cmpi slt, %select_n3A, %lt3A_117 : i32
    %ne3A_119 = vector.broadcast %lt3A_118 : i1 to vector<640x1xi1>
    %ne3A_120 = vector.broadcast %ne3A_119 : vector<640x1xi1> to vector<640x1xi1>
    %ne3A_121 = arith.xori %lt3A_116, %ne3A_120 : vector<640x1xi1>
    %and3A_122 = arith.andi %ne3A_121, %ne3A_113 : vector<640x1xi1>
    %add3A = vector.broadcast %select_n3A : i32 to vector<640x1xi32>
    %add3A_123 = arith.addi %rem3A_111, %add3A : vector<640x1xi32>
    %select_n3A_124 = arith.select %and3A_122, %add3A_123, %rem3A_111 : vector<640x1xi1>, vector<640x1xi32>
    %lt3A_125 = arith.constant 100 : i32
    %lt3A_126 = vector.broadcast %lt3A_125 : i32 to vector<640x1xi32>
    %lt3A_127 = arith.cmpi slt, %select_n3A_124, %lt3A_126 : vector<640x1xi32>
    %convert_element_type3A_128 = arith.extui %lt3A_127 : vector<640x1xi1> to vector<640x1xi32>
    %convert_element_type3A_129 = arith.sitofp %convert_element_type3A_128 : vector<640x1xi32> to vector<640x1xf32>
    %get3A_130 = arith.constant 0 : index
    %get3A_131 = arith.constant 0 : index
    %get3A_132 = vector.load %arg21[%get3A_130, %get3A_131] : memref<640x128xf32, #tpu.memory_space<vmem>>, vector<640x128xf32>
    %iota3A_133 = tpu.iota {dimensions = array<i32: 1>} : vector<5x640xi32>
    %shift_right_arithmetic3A_134 = arith.constant 7 : i32
    %shift_right_arithmetic3A_135 = vector.broadcast %shift_right_arithmetic3A_134 : i32 to vector<5x640xi32>
    %shift_right_arithmetic3A_136 = arith.shrsi %iota3A_133, %shift_right_arithmetic3A_135 : vector<5x640xi32>
    %iota3A_137 = tpu.iota {dimensions = array<i32: 0>} : vector<5x640xi32>
    %eq3A_138 = arith.cmpi eq, %shift_right_arithmetic3A_136, %iota3A_137 : vector<5x640xi32>
    %convert_element_type3A_139 = arith.extui %eq3A_138 : vector<5x640xi1> to vector<5x640xi32>
    %convert_element_type3A_140 = arith.sitofp %convert_element_type3A_139 : vector<5x640xi32> to vector<5x640xf32>
    %broadcast_in_dim3A = arith.constant 0.000000e+00 : f32
    %broadcast_in_dim3A_141 = vector.broadcast %broadcast_in_dim3A : f32 to vector<5x384xf32>
    %get3A_142 = arith.constant 0 : index
    %get3A_143 = arith.constant 0 : index
    %get3A_144 = vector.load %arg3[%get3A_142, %get3A_143] : memref<128x128xf32, #tpu.memory_space<vmem>>, vector<128x128xf32>
    %dot_general3A = arith.constant dense<0.000000e+00> : vector<640x128xf32>
    %dot_general3A_145 = tpu.matmul %get3A_132, %get3A_144, %dot_general3A {dimension_numbers = #tpu.dot_dimension_numbers<[1], [0], [0], [1], [0, 0, 1, 1], [], []>, transpose_lhs_hint = false} : vector<640x128xf32>, vector<128x128xf32>, vector<640x128xf32> -> vector<640x128xf32>
    %broadcast_in_dim3A_146 = arith.constant 1.000000e+00 : f32
    %broadcast_in_dim3A_147 = vector.broadcast %broadcast_in_dim3A_146 : f32 to vector<1x1xf32>
    %dot_general3A_148 = arith.constant dense<0.000000e+00> : vector<1x640xf32>
    %dot_general3A_149 = tpu.matmul %broadcast_in_dim3A_147, %convert_element_type3A_129, %dot_general3A_148 {dimension_numbers = #tpu.dot_dimension_numbers<[1], [1], [0], [0], [0, 0, 1, 0], [], []>, transpose_lhs_hint = false} : vector<1x1xf32>, vector<640x1xf32>, vector<1x640xf32> -> vector<1x640xf32>
    %mul3A = vector.broadcast %dot_general3A_149 : vector<1x640xf32> to vector<640x640xf32>
    %mul3A_150 = arith.mulf %get3A_92, %mul3A : vector<640x640xf32>
    %reduce_sum3A = arith.constant dense<0.000000e+00> : vector<640xf32>
    %reduce_sum3A_151 = vector.multi_reduction <add>, %mul3A_150, %reduce_sum3A [1] : vector<640x640xf32> to vector<640xf32>
    %broadcast_in_dim3A_152 = vector.shape_cast %reduce_sum3A_151 : vector<640xf32> to vector<640x1xf32>
    %mul3A_153 = arith.mulf %convert_element_type3A_129, %broadcast_in_dim3A_152 : vector<640x1xf32>
    %add3A_154 = arith.addf %mul3A_153, %convert_element_type3A_129 : vector<640x1xf32>
    %gt3A = arith.constant 0.000000e+00 : f32
    %gt3A_155 = vector.broadcast %gt3A : f32 to vector<640x1xf32>
    %gt3A_156 = arith.cmpf ogt, %add3A_154, %gt3A_155 : vector<640x1xf32>
    %max3A = arith.constant 9.99999996E-13 : f32
    %max3A_157 = vector.broadcast %max3A : f32 to vector<640x1xf32>
    %max3A_158 = arith.maximumf %add3A_154, %max3A_157 : vector<640x1xf32>
    %rsqrt3A = math.rsqrt %max3A_158 : vector<640x1xf32>
    %jit3A_159 = arith.constant 0.000000e+00 : f32
    %broadcast_in_dim3A_160 = vector.broadcast %jit3A_159 : f32 to vector<640x1xf32>
    %select_n3A_161 = arith.select %gt3A_156, %rsqrt3A, %broadcast_in_dim3A_160 : vector<640x1xi1>, vector<640x1xf32>
    %mul3A_162 = arith.mulf %select_n3A_161, %convert_element_type3A_129 : vector<640x1xf32>
    %mul3A_163 = arith.mulf %select_n3A_161, %select_n3A_161 : vector<640x1xf32>
    %mul3A_164 = arith.mulf %mul3A_163, %convert_element_type3A_129 : vector<640x1xf32>
    %mul3A_165 = vector.broadcast %mul3A_162 : vector<640x1xf32> to vector<640x128xf32>
    %mul3A_166 = arith.mulf %mul3A_165, %dot_general3A_145 : vector<640x128xf32>
    %dot_general3A_167 = arith.constant dense<0.000000e+00> : vector<640x128xf32>
    %dot_general3A_168 = tpu.matmul %get3A_92, %mul3A_166, %dot_general3A_167 {dimension_numbers = #tpu.dot_dimension_numbers<[1], [0], [0], [1], [0, 0, 1, 1], [], []>, transpose_lhs_hint = false} : vector<640x640xf32>, vector<640x128xf32>, vector<640x128xf32> -> vector<640x128xf32>
    %mul3A_169 = vector.broadcast %mul3A_162 : vector<640x1xf32> to vector<640x128xf32>
    %mul3A_170 = arith.mulf %mul3A_169, %dot_general3A_168 : vector<640x128xf32>
    %mul3A_171 = vector.broadcast %mul3A_164 : vector<640x1xf32> to vector<640x128xf32>
    %mul3A_172 = arith.mulf %mul3A_171, %dot_general3A_145 : vector<640x128xf32>
    %add3A_173 = arith.addf %mul3A_170, %mul3A_172 : vector<640x128xf32>
    %get3A_174 = arith.constant 0 : index
    %get3A_175 = arith.constant 0 : index
    %get3A_176 = vector.load %arg4[%get3A_174, %get3A_175] : memref<1x128xf32, #tpu.memory_space<vmem>>, vector<1x128xf32>
    %add3A_177 = vector.broadcast %get3A_176 : vector<1x128xf32> to vector<640x128xf32>
    %add3A_178 = arith.addf %add3A_173, %add3A_177 : vector<640x128xf32>
    %mul3A_179 = vector.broadcast %convert_element_type3A_129 : vector<640x1xf32> to vector<640x128xf32>
    %mul3A_180 = arith.mulf %add3A_178, %mul3A_179 : vector<640x128xf32>
    %max3A_181 = arith.constant 0.000000e+00 : f32
    %max3A_182 = vector.broadcast %max3A_181 : f32 to vector<640x128xf32>
    %max3A_183 = arith.maximumf %mul3A_180, %max3A_182 : vector<640x128xf32>
    %get3A_184 = arith.constant 0 : index
    %get3A_185 = arith.constant 0 : index
    %get3A_186 = vector.load %arg9[%get3A_184, %get3A_185] : memref<128x1xf32, #tpu.memory_space<vmem>>, vector<128x1xf32>
    %dot_general3A_187 = arith.constant dense<0.000000e+00> : vector<640x1xf32>
    %dot_general3A_188 = tpu.matmul %max3A_183, %get3A_186, %dot_general3A_187 {dimension_numbers = #tpu.dot_dimension_numbers<[1], [0], [0], [1], [0, 0, 1, 1], [], []>, transpose_lhs_hint = false} : vector<640x128xf32>, vector<128x1xf32>, vector<640x1xf32> -> vector<640x1xf32>
    %mul3A_189 = arith.mulf %mul3A_162, %dot_general3A_188 : vector<640x1xf32>
    %broadcast_in_dim3A_190 = arith.constant 1.000000e+00 : f32
    %broadcast_in_dim3A_191 = vector.broadcast %broadcast_in_dim3A_190 : f32 to vector<1x1xf32>
    %dot_general3A_192 = arith.constant dense<0.000000e+00> : vector<1x640xf32>
    %dot_general3A_193 = tpu.matmul %broadcast_in_dim3A_191, %mul3A_189, %dot_general3A_192 {dimension_numbers = #tpu.dot_dimension_numbers<[1], [1], [0], [0], [0, 0, 1, 0], [], []>, transpose_lhs_hint = false} : vector<1x1xf32>, vector<640x1xf32>, vector<1x640xf32> -> vector<1x640xf32>
    %mul3A_194 = vector.broadcast %dot_general3A_193 : vector<1x640xf32> to vector<640x640xf32>
    %mul3A_195 = arith.mulf %get3A_92, %mul3A_194 : vector<640x640xf32>
    %reduce_sum3A_196 = arith.constant dense<0.000000e+00> : vector<640xf32>
    %reduce_sum3A_197 = vector.multi_reduction <add>, %mul3A_195, %reduce_sum3A_196 [1] : vector<640x640xf32> to vector<640xf32>
    %broadcast_in_dim3A_198 = vector.shape_cast %reduce_sum3A_197 : vector<640xf32> to vector<640x1xf32>
    %mul3A_199 = arith.mulf %mul3A_162, %broadcast_in_dim3A_198 : vector<640x1xf32>
    %mul3A_200 = arith.mulf %mul3A_164, %dot_general3A_188 : vector<640x1xf32>
    %add3A_201 = arith.addf %mul3A_199, %mul3A_200 : vector<640x1xf32>
    %get3A_202 = arith.constant 0 : index
    %get3A_203 = arith.constant 0 : index
    %get3A_204 = vector.load %arg10[%get3A_202, %get3A_203] : memref<1x1xf32, #tpu.memory_space<vmem>>, vector<1x1xf32>
    %add3A_205 = vector.broadcast %get3A_204 : vector<1x1xf32> to vector<640x1xf32>
    %add3A_206 = arith.addf %add3A_201, %add3A_205 : vector<640x1xf32>
    %mul3A_207 = arith.mulf %add3A_206, %convert_element_type3A_129 : vector<640x1xf32>
    %gt3A_208 = arith.constant 0.000000e+00 : f32
    %gt3A_209 = vector.broadcast %gt3A_208 : f32 to vector<640x1xf32>
    %gt3A_210 = arith.cmpf ogt, %convert_element_type3A_129, %gt3A_209 : vector<640x1xf32>
    %jit3A_211 = arith.constant 0xFF800000 : f32
    %broadcast_in_dim3A_212 = vector.broadcast %jit3A_211 : f32 to vector<640x1xf32>
    %select_n3A_213 = arith.select %gt3A_210, %mul3A_207, %broadcast_in_dim3A_212 : vector<640x1xi1>, vector<640x1xf32>
    %broadcast_in_dim3A_214 = arith.constant 1.000000e+00 : f32
    %broadcast_in_dim3A_215 = vector.broadcast %broadcast_in_dim3A_214 : f32 to vector<1x1xf32>
    %dot_general3A_216 = arith.constant dense<0.000000e+00> : vector<1x640xf32>
    %dot_general3A_217 = tpu.matmul %broadcast_in_dim3A_215, %select_n3A_213, %dot_general3A_216 {dimension_numbers = #tpu.dot_dimension_numbers<[1], [1], [0], [0], [0, 0, 1, 0], [], []>, transpose_lhs_hint = false} : vector<1x1xf32>, vector<640x1xf32>, vector<1x640xf32> -> vector<1x640xf32>
    %gt3A_218 = vector.broadcast %dot_general3A_217 : vector<1x640xf32> to vector<640x640xf32>
    %gt3A_219 = vector.broadcast %select_n3A_213 : vector<640x1xf32> to vector<640x640xf32>
    %gt3A_220 = arith.cmpf ogt, %gt3A_218, %gt3A_219 : vector<640x640xf32>
    %and3A_221 = arith.andi %eq3A_106, %gt3A_220 : vector<640x640xi1>
    %eq3A_222 = vector.broadcast %dot_general3A_217 : vector<1x640xf32> to vector<640x640xf32>
    %eq3A_223 = vector.broadcast %select_n3A_213 : vector<640x1xf32> to vector<640x640xf32>
    %eq3A_224 = arith.cmpf oeq, %eq3A_222, %eq3A_223 : vector<640x640xf32>
    %and3A_225 = arith.andi %and3A, %eq3A_224 : vector<640x640xi1>
    %or3A = arith.ori %and3A_221, %and3A_225 : vector<640x640xi1>
    %convert_element_type3A_226 = arith.extui %or3A : vector<640x640xi1> to vector<640x640xi32>
    %convert_element_type3A_227 = arith.sitofp %convert_element_type3A_226 : vector<640x640xi32> to vector<640x640xf32>
    %reduce_sum3A_228 = arith.constant dense<0.000000e+00> : vector<640xf32>
    %reduce_sum3A_229 = vector.multi_reduction <add>, %convert_element_type3A_227, %reduce_sum3A_228 [1] : vector<640x640xf32> to vector<640xf32>
    %broadcast_in_dim3A_230 = vector.shape_cast %reduce_sum3A_229 : vector<640xf32> to vector<640x1xf32>
    %lt3A_231 = arith.constant 5.000000e+01 : f32
    %lt3A_232 = vector.broadcast %lt3A_231 : f32 to vector<640x1xf32>
    %lt3A_233 = arith.cmpf olt, %broadcast_in_dim3A_230, %lt3A_232 : vector<640x1xf32>
    %convert_element_type3A_234 = arith.extui %lt3A_233 : vector<640x1xi1> to vector<640x1xi32>
    %convert_element_type3A_235 = arith.sitofp %convert_element_type3A_234 : vector<640x1xi32> to vector<640x1xf32>
    %tanh3A = math.tanh %mul3A_207 : vector<640x1xf32>
    %mul3A_236 = vector.broadcast %tanh3A : vector<640x1xf32> to vector<640x128xf32>
    %mul3A_237 = arith.mulf %max3A_183, %mul3A_236 : vector<640x128xf32>
    %mul3A_238 = vector.broadcast %convert_element_type3A_235 : vector<640x1xf32> to vector<640x128xf32>
    %mul3A_239 = arith.mulf %mul3A_237, %mul3A_238 : vector<640x128xf32>
    %dot_general3A_240 = arith.constant dense<0.000000e+00> : vector<5x128xf32>
    %dot_general3A_241 = tpu.matmul %convert_element_type3A_140, %mul3A_239, %dot_general3A_240 {dimension_numbers = #tpu.dot_dimension_numbers<[1], [0], [0], [1], [0, 0, 1, 1], [], []>, transpose_lhs_hint = false} : vector<5x640xf32>, vector<640x128xf32>, vector<5x128xf32> -> vector<5x128xf32>
    %reshape3A = vector.shape_cast %mul3A_239 : vector<640x128xf32> to vector<5x128x128xf32>
    %gt3A_242 = arith.constant 0.000000e+00 : f32
    %gt3A_243 = vector.broadcast %gt3A_242 : f32 to vector<640x1xf32>
    %gt3A_244 = arith.cmpf ogt, %convert_element_type3A_235, %gt3A_243 : vector<640x1xf32>
    %reshape3A_245 = vector.shape_cast %gt3A_244 : vector<640x1xi1> to vector<5x128x1xi1>
    %jit3A_246 = arith.constant 0xFF800000 : f32
    %broadcast_in_dim3A_247 = vector.shape_cast %reshape3A_245 : vector<5x128x1xi1> to vector<5x128x1xi1>
    %broadcast_in_dim3A_248 = vector.broadcast %broadcast_in_dim3A_247 : vector<5x128x1xi1> to vector<5x128x128xi1>
    %broadcast_in_dim3A_249 = vector.broadcast %jit3A_246 : f32 to vector<5x128x128xf32>
    %select_n3A_250 = arith.select %broadcast_in_dim3A_248, %reshape3A, %broadcast_in_dim3A_249 : vector<5x128x128xi1>, vector<5x128x128xf32>
    %reduce_max3A = arith.constant dense<0xFF800000> : vector<5x128xf32>
    %reduce_max3A_251 = vector.multi_reduction <maximumf>, %select_n3A_250, %reduce_max3A [1] : vector<5x128x128xf32> to vector<5x128xf32>
    %div3A = arith.constant 5.000000e+01 : f32
    %div3A_252 = vector.broadcast %div3A : f32 to vector<5x128xf32>
    %div3A_253 = arith.divf %dot_general3A_241, %div3A_252 : vector<5x128xf32>
    %concatenate3A = tpu.concatenate %div3A_253, %reduce_max3A_251, %dot_general3A_241 in 1 : vector<5x128xf32>, vector<5x128xf32>, vector<5x128xf32> -> vector<5x384xf32>
    %add3A_254 = arith.addf %broadcast_in_dim3A_141, %concatenate3A : vector<5x384xf32>
    %get3A_255 = arith.constant 0 : index
    %get3A_256 = arith.constant 0 : index
    %get3A_257 = vector.load %arg5[%get3A_255, %get3A_256] : memref<128x128xf32, #tpu.memory_space<vmem>>, vector<128x128xf32>
    %dot_general3A_258 = arith.constant dense<0.000000e+00> : vector<640x128xf32>
    %dot_general3A_259 = tpu.matmul %mul3A_239, %get3A_257, %dot_general3A_258 {dimension_numbers = #tpu.dot_dimension_numbers<[1], [0], [0], [1], [0, 0, 1, 1], [], []>, transpose_lhs_hint = false} : vector<640x128xf32>, vector<128x128xf32>, vector<640x128xf32> -> vector<640x128xf32>
    %broadcast_in_dim3A_260 = arith.constant 1.000000e+00 : f32
    %broadcast_in_dim3A_261 = vector.broadcast %broadcast_in_dim3A_260 : f32 to vector<1x1xf32>
    %dot_general3A_262 = arith.constant dense<0.000000e+00> : vector<1x640xf32>
    %dot_general3A_263 = tpu.matmul %broadcast_in_dim3A_261, %convert_element_type3A_235, %dot_general3A_262 {dimension_numbers = #tpu.dot_dimension_numbers<[1], [1], [0], [0], [0, 0, 1, 0], [], []>, transpose_lhs_hint = false} : vector<1x1xf32>, vector<640x1xf32>, vector<1x640xf32> -> vector<1x640xf32>
    %mul3A_264 = vector.broadcast %dot_general3A_263 : vector<1x640xf32> to vector<640x640xf32>
    %mul3A_265 = arith.mulf %get3A_92, %mul3A_264 : vector<640x640xf32>
    %reduce_sum3A_266 = arith.constant dense<0.000000e+00> : vector<640xf32>
    %reduce_sum3A_267 = vector.multi_reduction <add>, %mul3A_265, %reduce_sum3A_266 [1] : vector<640x640xf32> to vector<640xf32>
    %broadcast_in_dim3A_268 = vector.shape_cast %reduce_sum3A_267 : vector<640xf32> to vector<640x1xf32>
    %mul3A_269 = arith.mulf %convert_element_type3A_235, %broadcast_in_dim3A_268 : vector<640x1xf32>
    %add3A_270 = arith.addf %mul3A_269, %convert_element_type3A_235 : vector<640x1xf32>
    %gt3A_271 = arith.constant 0.000000e+00 : f32
    %gt3A_272 = vector.broadcast %gt3A_271 : f32 to vector<640x1xf32>
    %gt3A_273 = arith.cmpf ogt, %add3A_270, %gt3A_272 : vector<640x1xf32>
    %max3A_274 = arith.constant 9.99999996E-13 : f32
    %max3A_275 = vector.broadcast %max3A_274 : f32 to vector<640x1xf32>
    %max3A_276 = arith.maximumf %add3A_270, %max3A_275 : vector<640x1xf32>
    %rsqrt3A_277 = math.rsqrt %max3A_276 : vector<640x1xf32>
    %jit3A_278 = arith.constant 0.000000e+00 : f32
    %broadcast_in_dim3A_279 = vector.broadcast %jit3A_278 : f32 to vector<640x1xf32>
    %select_n3A_280 = arith.select %gt3A_273, %rsqrt3A_277, %broadcast_in_dim3A_279 : vector<640x1xi1>, vector<640x1xf32>
    %mul3A_281 = arith.mulf %select_n3A_280, %convert_element_type3A_235 : vector<640x1xf32>
    %mul3A_282 = arith.mulf %select_n3A_280, %select_n3A_280 : vector<640x1xf32>
    %mul3A_283 = arith.mulf %mul3A_282, %convert_element_type3A_235 : vector<640x1xf32>
    %mul3A_284 = vector.broadcast %mul3A_281 : vector<640x1xf32> to vector<640x128xf32>
    %mul3A_285 = arith.mulf %mul3A_284, %dot_general3A_259 : vector<640x128xf32>
    %dot_general3A_286 = arith.constant dense<0.000000e+00> : vector<640x128xf32>
    %dot_general3A_287 = tpu.matmul %get3A_92, %mul3A_285, %dot_general3A_286 {dimension_numbers = #tpu.dot_dimension_numbers<[1], [0], [0], [1], [0, 0, 1, 1], [], []>, transpose_lhs_hint = false} : vector<640x640xf32>, vector<640x128xf32>, vector<640x128xf32> -> vector<640x128xf32>
    %mul3A_288 = vector.broadcast %mul3A_281 : vector<640x1xf32> to vector<640x128xf32>
    %mul3A_289 = arith.mulf %mul3A_288, %dot_general3A_287 : vector<640x128xf32>
    %mul3A_290 = vector.broadcast %mul3A_283 : vector<640x1xf32> to vector<640x128xf32>
    %mul3A_291 = arith.mulf %mul3A_290, %dot_general3A_259 : vector<640x128xf32>
    %add3A_292 = arith.addf %mul3A_289, %mul3A_291 : vector<640x128xf32>
    %get3A_293 = arith.constant 0 : index
    %get3A_294 = arith.constant 0 : index
    %get3A_295 = vector.load %arg6[%get3A_293, %get3A_294] : memref<1x128xf32, #tpu.memory_space<vmem>>, vector<1x128xf32>
    %add3A_296 = vector.broadcast %get3A_295 : vector<1x128xf32> to vector<640x128xf32>
    %add3A_297 = arith.addf %add3A_292, %add3A_296 : vector<640x128xf32>
    %mul3A_298 = vector.broadcast %convert_element_type3A_235 : vector<640x1xf32> to vector<640x128xf32>
    %mul3A_299 = arith.mulf %add3A_297, %mul3A_298 : vector<640x128xf32>
    %max3A_300 = arith.constant 0.000000e+00 : f32
    %max3A_301 = vector.broadcast %max3A_300 : f32 to vector<640x128xf32>
    %max3A_302 = arith.maximumf %mul3A_299, %max3A_301 : vector<640x128xf32>
    %get3A_303 = arith.constant 0 : index
    %get3A_304 = arith.constant 0 : index
    %get3A_305 = vector.load %arg11[%get3A_303, %get3A_304] : memref<128x1xf32, #tpu.memory_space<vmem>>, vector<128x1xf32>
    %dot_general3A_306 = arith.constant dense<0.000000e+00> : vector<640x1xf32>
    %dot_general3A_307 = tpu.matmul %max3A_302, %get3A_305, %dot_general3A_306 {dimension_numbers = #tpu.dot_dimension_numbers<[1], [0], [0], [1], [0, 0, 1, 1], [], []>, transpose_lhs_hint = false} : vector<640x128xf32>, vector<128x1xf32>, vector<640x1xf32> -> vector<640x1xf32>
    %mul3A_308 = arith.mulf %mul3A_281, %dot_general3A_307 : vector<640x1xf32>
    %broadcast_in_dim3A_309 = arith.constant 1.000000e+00 : f32
    %broadcast_in_dim3A_310 = vector.broadcast %broadcast_in_dim3A_309 : f32 to vector<1x1xf32>
    %dot_general3A_311 = arith.constant dense<0.000000e+00> : vector<1x640xf32>
    %dot_general3A_312 = tpu.matmul %broadcast_in_dim3A_310, %mul3A_308, %dot_general3A_311 {dimension_numbers = #tpu.dot_dimension_numbers<[1], [1], [0], [0], [0, 0, 1, 0], [], []>, transpose_lhs_hint = false} : vector<1x1xf32>, vector<640x1xf32>, vector<1x640xf32> -> vector<1x640xf32>
    %mul3A_313 = vector.broadcast %dot_general3A_312 : vector<1x640xf32> to vector<640x640xf32>
    %mul3A_314 = arith.mulf %get3A_92, %mul3A_313 : vector<640x640xf32>
    %reduce_sum3A_315 = arith.constant dense<0.000000e+00> : vector<640xf32>
    %reduce_sum3A_316 = vector.multi_reduction <add>, %mul3A_314, %reduce_sum3A_315 [1] : vector<640x640xf32> to vector<640xf32>
    %broadcast_in_dim3A_317 = vector.shape_cast %reduce_sum3A_316 : vector<640xf32> to vector<640x1xf32>
    %mul3A_318 = arith.mulf %mul3A_281, %broadcast_in_dim3A_317 : vector<640x1xf32>
    %mul3A_319 = arith.mulf %mul3A_283, %dot_general3A_307 : vector<640x1xf32>
    %add3A_320 = arith.addf %mul3A_318, %mul3A_319 : vector<640x1xf32>
    %get3A_321 = arith.constant 0 : index
    %get3A_322 = arith.constant 0 : index
    %get3A_323 = vector.load %arg12[%get3A_321, %get3A_322] : memref<1x1xf32, #tpu.memory_space<vmem>>, vector<1x1xf32>
    %add3A_324 = vector.broadcast %get3A_323 : vector<1x1xf32> to vector<640x1xf32>
    %add3A_325 = arith.addf %add3A_320, %add3A_324 : vector<640x1xf32>
    %mul3A_326 = arith.mulf %add3A_325, %convert_element_type3A_235 : vector<640x1xf32>
    %gt3A_327 = arith.constant 0.000000e+00 : f32
    %gt3A_328 = vector.broadcast %gt3A_327 : f32 to vector<640x1xf32>
    %gt3A_329 = arith.cmpf ogt, %convert_element_type3A_235, %gt3A_328 : vector<640x1xf32>
    %jit3A_330 = arith.constant 0xFF800000 : f32
    %broadcast_in_dim3A_331 = vector.broadcast %jit3A_330 : f32 to vector<640x1xf32>
    %select_n3A_332 = arith.select %gt3A_329, %mul3A_326, %broadcast_in_dim3A_331 : vector<640x1xi1>, vector<640x1xf32>
    %broadcast_in_dim3A_333 = arith.constant 1.000000e+00 : f32
    %broadcast_in_dim3A_334 = vector.broadcast %broadcast_in_dim3A_333 : f32 to vector<1x1xf32>
    %dot_general3A_335 = arith.constant dense<0.000000e+00> : vector<1x640xf32>
    %dot_general3A_336 = tpu.matmul %broadcast_in_dim3A_334, %select_n3A_332, %dot_general3A_335 {dimension_numbers = #tpu.dot_dimension_numbers<[1], [1], [0], [0], [0, 0, 1, 0], [], []>, transpose_lhs_hint = false} : vector<1x1xf32>, vector<640x1xf32>, vector<1x640xf32> -> vector<1x640xf32>
    %gt3A_337 = vector.broadcast %dot_general3A_336 : vector<1x640xf32> to vector<640x640xf32>
    %gt3A_338 = vector.broadcast %select_n3A_332 : vector<640x1xf32> to vector<640x640xf32>
    %gt3A_339 = arith.cmpf ogt, %gt3A_337, %gt3A_338 : vector<640x640xf32>
    %and3A_340 = arith.andi %eq3A_106, %gt3A_339 : vector<640x640xi1>
    %eq3A_341 = vector.broadcast %dot_general3A_336 : vector<1x640xf32> to vector<640x640xf32>
    %eq3A_342 = vector.broadcast %select_n3A_332 : vector<640x1xf32> to vector<640x640xf32>
    %eq3A_343 = arith.cmpf oeq, %eq3A_341, %eq3A_342 : vector<640x640xf32>
    %and3A_344 = arith.andi %and3A, %eq3A_343 : vector<640x640xi1>
    %or3A_345 = arith.ori %and3A_340, %and3A_344 : vector<640x640xi1>
    %convert_element_type3A_346 = arith.extui %or3A_345 : vector<640x640xi1> to vector<640x640xi32>
    %convert_element_type3A_347 = arith.sitofp %convert_element_type3A_346 : vector<640x640xi32> to vector<640x640xf32>
    %reduce_sum3A_348 = arith.constant dense<0.000000e+00> : vector<640xf32>
    %reduce_sum3A_349 = vector.multi_reduction <add>, %convert_element_type3A_347, %reduce_sum3A_348 [1] : vector<640x640xf32> to vector<640xf32>
    %broadcast_in_dim3A_350 = vector.shape_cast %reduce_sum3A_349 : vector<640xf32> to vector<640x1xf32>
    %lt3A_351 = arith.constant 2.500000e+01 : f32
    %lt3A_352 = vector.broadcast %lt3A_351 : f32 to vector<640x1xf32>
    %lt3A_353 = arith.cmpf olt, %broadcast_in_dim3A_350, %lt3A_352 : vector<640x1xf32>
    %convert_element_type3A_354 = arith.extui %lt3A_353 : vector<640x1xi1> to vector<640x1xi32>
    %convert_element_type3A_355 = arith.sitofp %convert_element_type3A_354 : vector<640x1xi32> to vector<640x1xf32>
    %tanh3A_356 = math.tanh %mul3A_326 : vector<640x1xf32>
    %mul3A_357 = vector.broadcast %tanh3A_356 : vector<640x1xf32> to vector<640x128xf32>
    %mul3A_358 = arith.mulf %max3A_302, %mul3A_357 : vector<640x128xf32>
    %mul3A_359 = vector.broadcast %convert_element_type3A_355 : vector<640x1xf32> to vector<640x128xf32>
    %mul3A_360 = arith.mulf %mul3A_358, %mul3A_359 : vector<640x128xf32>
    %dot_general3A_361 = arith.constant dense<0.000000e+00> : vector<5x128xf32>
    %dot_general3A_362 = tpu.matmul %convert_element_type3A_140, %mul3A_360, %dot_general3A_361 {dimension_numbers = #tpu.dot_dimension_numbers<[1], [0], [0], [1], [0, 0, 1, 1], [], []>, transpose_lhs_hint = false} : vector<5x640xf32>, vector<640x128xf32>, vector<5x128xf32> -> vector<5x128xf32>
    %reshape3A_363 = vector.shape_cast %mul3A_360 : vector<640x128xf32> to vector<5x128x128xf32>
    %gt3A_364 = arith.constant 0.000000e+00 : f32
    %gt3A_365 = vector.broadcast %gt3A_364 : f32 to vector<640x1xf32>
    %gt3A_366 = arith.cmpf ogt, %convert_element_type3A_355, %gt3A_365 : vector<640x1xf32>
    %reshape3A_367 = vector.shape_cast %gt3A_366 : vector<640x1xi1> to vector<5x128x1xi1>
    %jit3A_368 = arith.constant 0xFF800000 : f32
    %broadcast_in_dim3A_369 = vector.shape_cast %reshape3A_367 : vector<5x128x1xi1> to vector<5x128x1xi1>
    %broadcast_in_dim3A_370 = vector.broadcast %broadcast_in_dim3A_369 : vector<5x128x1xi1> to vector<5x128x128xi1>
    %broadcast_in_dim3A_371 = vector.broadcast %jit3A_368 : f32 to vector<5x128x128xf32>
    %select_n3A_372 = arith.select %broadcast_in_dim3A_370, %reshape3A_363, %broadcast_in_dim3A_371 : vector<5x128x128xi1>, vector<5x128x128xf32>
    %reduce_max3A_373 = arith.constant dense<0xFF800000> : vector<5x128xf32>
    %reduce_max3A_374 = vector.multi_reduction <maximumf>, %select_n3A_372, %reduce_max3A_373 [1] : vector<5x128x128xf32> to vector<5x128xf32>
    %div3A_375 = arith.constant 2.500000e+01 : f32
    %div3A_376 = vector.broadcast %div3A_375 : f32 to vector<5x128xf32>
    %div3A_377 = arith.divf %dot_general3A_362, %div3A_376 : vector<5x128xf32>
    %concatenate3A_378 = tpu.concatenate %div3A_377, %reduce_max3A_374, %dot_general3A_362 in 1 : vector<5x128xf32>, vector<5x128xf32>, vector<5x128xf32> -> vector<5x384xf32>
    %add3A_379 = arith.addf %add3A_254, %concatenate3A_378 : vector<5x384xf32>
    %get3A_380 = arith.constant 0 : index
    %get3A_381 = arith.constant 0 : index
    %get3A_382 = vector.load %arg7[%get3A_380, %get3A_381] : memref<128x128xf32, #tpu.memory_space<vmem>>, vector<128x128xf32>
    %dot_general3A_383 = arith.constant dense<0.000000e+00> : vector<640x128xf32>
    %dot_general3A_384 = tpu.matmul %mul3A_360, %get3A_382, %dot_general3A_383 {dimension_numbers = #tpu.dot_dimension_numbers<[1], [0], [0], [1], [0, 0, 1, 1], [], []>, transpose_lhs_hint = false} : vector<640x128xf32>, vector<128x128xf32>, vector<640x128xf32> -> vector<640x128xf32>
    %broadcast_in_dim3A_385 = arith.constant 1.000000e+00 : f32
    %broadcast_in_dim3A_386 = vector.broadcast %broadcast_in_dim3A_385 : f32 to vector<1x1xf32>
    %dot_general3A_387 = arith.constant dense<0.000000e+00> : vector<1x640xf32>
    %dot_general3A_388 = tpu.matmul %broadcast_in_dim3A_386, %convert_element_type3A_355, %dot_general3A_387 {dimension_numbers = #tpu.dot_dimension_numbers<[1], [1], [0], [0], [0, 0, 1, 0], [], []>, transpose_lhs_hint = false} : vector<1x1xf32>, vector<640x1xf32>, vector<1x640xf32> -> vector<1x640xf32>
    %mul3A_389 = vector.broadcast %dot_general3A_388 : vector<1x640xf32> to vector<640x640xf32>
    %mul3A_390 = arith.mulf %get3A_92, %mul3A_389 : vector<640x640xf32>
    %reduce_sum3A_391 = arith.constant dense<0.000000e+00> : vector<640xf32>
    %reduce_sum3A_392 = vector.multi_reduction <add>, %mul3A_390, %reduce_sum3A_391 [1] : vector<640x640xf32> to vector<640xf32>
    %broadcast_in_dim3A_393 = vector.shape_cast %reduce_sum3A_392 : vector<640xf32> to vector<640x1xf32>
    %mul3A_394 = arith.mulf %convert_element_type3A_355, %broadcast_in_dim3A_393 : vector<640x1xf32>
    %add3A_395 = arith.addf %mul3A_394, %convert_element_type3A_355 : vector<640x1xf32>
    %gt3A_396 = arith.constant 0.000000e+00 : f32
    %gt3A_397 = vector.broadcast %gt3A_396 : f32 to vector<640x1xf32>
    %gt3A_398 = arith.cmpf ogt, %add3A_395, %gt3A_397 : vector<640x1xf32>
    %max3A_399 = arith.constant 9.99999996E-13 : f32
    %max3A_400 = vector.broadcast %max3A_399 : f32 to vector<640x1xf32>
    %max3A_401 = arith.maximumf %add3A_395, %max3A_400 : vector<640x1xf32>
    %rsqrt3A_402 = math.rsqrt %max3A_401 : vector<640x1xf32>
    %jit3A_403 = arith.constant 0.000000e+00 : f32
    %broadcast_in_dim3A_404 = vector.broadcast %jit3A_403 : f32 to vector<640x1xf32>
    %select_n3A_405 = arith.select %gt3A_398, %rsqrt3A_402, %broadcast_in_dim3A_404 : vector<640x1xi1>, vector<640x1xf32>
    %mul3A_406 = arith.mulf %select_n3A_405, %convert_element_type3A_355 : vector<640x1xf32>
    %mul3A_407 = arith.mulf %select_n3A_405, %select_n3A_405 : vector<640x1xf32>
    %mul3A_408 = arith.mulf %mul3A_407, %convert_element_type3A_355 : vector<640x1xf32>
    %mul3A_409 = vector.broadcast %mul3A_406 : vector<640x1xf32> to vector<640x128xf32>
    %mul3A_410 = arith.mulf %mul3A_409, %dot_general3A_384 : vector<640x128xf32>
    %dot_general3A_411 = arith.constant dense<0.000000e+00> : vector<640x128xf32>
    %dot_general3A_412 = tpu.matmul %get3A_92, %mul3A_410, %dot_general3A_411 {dimension_numbers = #tpu.dot_dimension_numbers<[1], [0], [0], [1], [0, 0, 1, 1], [], []>, transpose_lhs_hint = false} : vector<640x640xf32>, vector<640x128xf32>, vector<640x128xf32> -> vector<640x128xf32>
    %mul3A_413 = vector.broadcast %mul3A_406 : vector<640x1xf32> to vector<640x128xf32>
    %mul3A_414 = arith.mulf %mul3A_413, %dot_general3A_412 : vector<640x128xf32>
    %mul3A_415 = vector.broadcast %mul3A_408 : vector<640x1xf32> to vector<640x128xf32>
    %mul3A_416 = arith.mulf %mul3A_415, %dot_general3A_384 : vector<640x128xf32>
    %add3A_417 = arith.addf %mul3A_414, %mul3A_416 : vector<640x128xf32>
    %get3A_418 = arith.constant 0 : index
    %get3A_419 = arith.constant 0 : index
    %get3A_420 = vector.load %arg8[%get3A_418, %get3A_419] : memref<1x128xf32, #tpu.memory_space<vmem>>, vector<1x128xf32>
    %add3A_421 = vector.broadcast %get3A_420 : vector<1x128xf32> to vector<640x128xf32>
    %add3A_422 = arith.addf %add3A_417, %add3A_421 : vector<640x128xf32>
    %mul3A_423 = vector.broadcast %convert_element_type3A_355 : vector<640x1xf32> to vector<640x128xf32>
    %mul3A_424 = arith.mulf %add3A_422, %mul3A_423 : vector<640x128xf32>
    %max3A_425 = arith.constant 0.000000e+00 : f32
    %max3A_426 = vector.broadcast %max3A_425 : f32 to vector<640x128xf32>
    %max3A_427 = arith.maximumf %mul3A_424, %max3A_426 : vector<640x128xf32>
    %get3A_428 = arith.constant 0 : index
    %get3A_429 = arith.constant 0 : index
    %get3A_430 = vector.load %arg11[%get3A_428, %get3A_429] : memref<128x1xf32, #tpu.memory_space<vmem>>, vector<128x1xf32>
    %dot_general3A_431 = arith.constant dense<0.000000e+00> : vector<640x1xf32>
    %dot_general3A_432 = tpu.matmul %max3A_427, %get3A_430, %dot_general3A_431 {dimension_numbers = #tpu.dot_dimension_numbers<[1], [0], [0], [1], [0, 0, 1, 1], [], []>, transpose_lhs_hint = false} : vector<640x128xf32>, vector<128x1xf32>, vector<640x1xf32> -> vector<640x1xf32>
    %mul3A_433 = arith.mulf %mul3A_406, %dot_general3A_432 : vector<640x1xf32>
    %broadcast_in_dim3A_434 = arith.constant 1.000000e+00 : f32
    %broadcast_in_dim3A_435 = vector.broadcast %broadcast_in_dim3A_434 : f32 to vector<1x1xf32>
    %dot_general3A_436 = arith.constant dense<0.000000e+00> : vector<1x640xf32>
    %dot_general3A_437 = tpu.matmul %broadcast_in_dim3A_435, %mul3A_433, %dot_general3A_436 {dimension_numbers = #tpu.dot_dimension_numbers<[1], [1], [0], [0], [0, 0, 1, 0], [], []>, transpose_lhs_hint = false} : vector<1x1xf32>, vector<640x1xf32>, vector<1x640xf32> -> vector<1x640xf32>
    %mul3A_438 = vector.broadcast %dot_general3A_437 : vector<1x640xf32> to vector<640x640xf32>
    %mul3A_439 = arith.mulf %get3A_92, %mul3A_438 : vector<640x640xf32>
    %reduce_sum3A_440 = arith.constant dense<0.000000e+00> : vector<640xf32>
    %reduce_sum3A_441 = vector.multi_reduction <add>, %mul3A_439, %reduce_sum3A_440 [1] : vector<640x640xf32> to vector<640xf32>
    %broadcast_in_dim3A_442 = vector.shape_cast %reduce_sum3A_441 : vector<640xf32> to vector<640x1xf32>
    %mul3A_443 = arith.mulf %mul3A_406, %broadcast_in_dim3A_442 : vector<640x1xf32>
    %mul3A_444 = arith.mulf %mul3A_408, %dot_general3A_432 : vector<640x1xf32>
    %add3A_445 = arith.addf %mul3A_443, %mul3A_444 : vector<640x1xf32>
    %get3A_446 = arith.constant 0 : index
    %get3A_447 = arith.constant 0 : index
    %get3A_448 = vector.load %arg12[%get3A_446, %get3A_447] : memref<1x1xf32, #tpu.memory_space<vmem>>, vector<1x1xf32>
    %add3A_449 = vector.broadcast %get3A_448 : vector<1x1xf32> to vector<640x1xf32>
    %add3A_450 = arith.addf %add3A_445, %add3A_449 : vector<640x1xf32>
    %mul3A_451 = arith.mulf %add3A_450, %convert_element_type3A_355 : vector<640x1xf32>
    %gt3A_452 = arith.constant 0.000000e+00 : f32
    %gt3A_453 = vector.broadcast %gt3A_452 : f32 to vector<640x1xf32>
    %gt3A_454 = arith.cmpf ogt, %convert_element_type3A_355, %gt3A_453 : vector<640x1xf32>
    %jit3A_455 = arith.constant 0xFF800000 : f32
    %broadcast_in_dim3A_456 = vector.broadcast %jit3A_455 : f32 to vector<640x1xf32>
    %select_n3A_457 = arith.select %gt3A_454, %mul3A_451, %broadcast_in_dim3A_456 : vector<640x1xi1>, vector<640x1xf32>
    %broadcast_in_dim3A_458 = arith.constant 1.000000e+00 : f32
    %broadcast_in_dim3A_459 = vector.broadcast %broadcast_in_dim3A_458 : f32 to vector<1x1xf32>
    %dot_general3A_460 = arith.constant dense<0.000000e+00> : vector<1x640xf32>
    %dot_general3A_461 = tpu.matmul %broadcast_in_dim3A_459, %select_n3A_457, %dot_general3A_460 {dimension_numbers = #tpu.dot_dimension_numbers<[1], [1], [0], [0], [0, 0, 1, 0], [], []>, transpose_lhs_hint = false} : vector<1x1xf32>, vector<640x1xf32>, vector<1x640xf32> -> vector<1x640xf32>
    %gt3A_462 = vector.broadcast %dot_general3A_461 : vector<1x640xf32> to vector<640x640xf32>
    %gt3A_463 = vector.broadcast %select_n3A_457 : vector<640x1xf32> to vector<640x640xf32>
    %gt3A_464 = arith.cmpf ogt, %gt3A_462, %gt3A_463 : vector<640x640xf32>
    %and3A_465 = arith.andi %eq3A_106, %gt3A_464 : vector<640x640xi1>
    %eq3A_466 = vector.broadcast %dot_general3A_461 : vector<1x640xf32> to vector<640x640xf32>
    %eq3A_467 = vector.broadcast %select_n3A_457 : vector<640x1xf32> to vector<640x640xf32>
    %eq3A_468 = arith.cmpf oeq, %eq3A_466, %eq3A_467 : vector<640x640xf32>
    %and3A_469 = arith.andi %and3A, %eq3A_468 : vector<640x640xi1>
    %or3A_470 = arith.ori %and3A_465, %and3A_469 : vector<640x640xi1>
    %convert_element_type3A_471 = arith.extui %or3A_470 : vector<640x640xi1> to vector<640x640xi32>
    %convert_element_type3A_472 = arith.sitofp %convert_element_type3A_471 : vector<640x640xi32> to vector<640x640xf32>
    %reduce_sum3A_473 = arith.constant dense<0.000000e+00> : vector<640xf32>
    %reduce_sum3A_474 = vector.multi_reduction <add>, %convert_element_type3A_472, %reduce_sum3A_473 [1] : vector<640x640xf32> to vector<640xf32>
    %broadcast_in_dim3A_475 = vector.shape_cast %reduce_sum3A_474 : vector<640xf32> to vector<640x1xf32>
    %lt3A_476 = arith.constant 1.300000e+01 : f32
    %lt3A_477 = vector.broadcast %lt3A_476 : f32 to vector<640x1xf32>
    %lt3A_478 = arith.cmpf olt, %broadcast_in_dim3A_475, %lt3A_477 : vector<640x1xf32>
    %convert_element_type3A_479 = arith.extui %lt3A_478 : vector<640x1xi1> to vector<640x1xi32>
    %convert_element_type3A_480 = arith.sitofp %convert_element_type3A_479 : vector<640x1xi32> to vector<640x1xf32>
    %tanh3A_481 = math.tanh %mul3A_451 : vector<640x1xf32>
    %mul3A_482 = vector.broadcast %tanh3A_481 : vector<640x1xf32> to vector<640x128xf32>
    %mul3A_483 = arith.mulf %max3A_427, %mul3A_482 : vector<640x128xf32>
    %mul3A_484 = vector.broadcast %convert_element_type3A_480 : vector<640x1xf32> to vector<640x128xf32>
    %mul3A_485 = arith.mulf %mul3A_483, %mul3A_484 : vector<640x128xf32>
    %dot_general3A_486 = arith.constant dense<0.000000e+00> : vector<5x128xf32>
    %dot_general3A_487 = tpu.matmul %convert_element_type3A_140, %mul3A_485, %dot_general3A_486 {dimension_numbers = #tpu.dot_dimension_numbers<[1], [0], [0], [1], [0, 0, 1, 1], [], []>, transpose_lhs_hint = false} : vector<5x640xf32>, vector<640x128xf32>, vector<5x128xf32> -> vector<5x128xf32>
    %reshape3A_488 = vector.shape_cast %mul3A_485 : vector<640x128xf32> to vector<5x128x128xf32>
    %gt3A_489 = arith.constant 0.000000e+00 : f32
    %gt3A_490 = vector.broadcast %gt3A_489 : f32 to vector<640x1xf32>
    %gt3A_491 = arith.cmpf ogt, %convert_element_type3A_480, %gt3A_490 : vector<640x1xf32>
    %reshape3A_492 = vector.shape_cast %gt3A_491 : vector<640x1xi1> to vector<5x128x1xi1>
    %jit3A_493 = arith.constant 0xFF800000 : f32
    %broadcast_in_dim3A_494 = vector.shape_cast %reshape3A_492 : vector<5x128x1xi1> to vector<5x128x1xi1>
    %broadcast_in_dim3A_495 = vector.broadcast %broadcast_in_dim3A_494 : vector<5x128x1xi1> to vector<5x128x128xi1>
    %broadcast_in_dim3A_496 = vector.broadcast %jit3A_493 : f32 to vector<5x128x128xf32>
    %select_n3A_497 = arith.select %broadcast_in_dim3A_495, %reshape3A_488, %broadcast_in_dim3A_496 : vector<5x128x128xi1>, vector<5x128x128xf32>
    %reduce_max3A_498 = arith.constant dense<0xFF800000> : vector<5x128xf32>
    %reduce_max3A_499 = vector.multi_reduction <maximumf>, %select_n3A_497, %reduce_max3A_498 [1] : vector<5x128x128xf32> to vector<5x128xf32>
    %div3A_500 = arith.constant 1.300000e+01 : f32
    %div3A_501 = vector.broadcast %div3A_500 : f32 to vector<5x128xf32>
    %div3A_502 = arith.divf %dot_general3A_487, %div3A_501 : vector<5x128xf32>
    %concatenate3A_503 = tpu.concatenate %div3A_502, %reduce_max3A_499, %dot_general3A_487 in 1 : vector<5x128xf32>, vector<5x128xf32>, vector<5x128xf32> -> vector<5x384xf32>
    %add3A_504 = arith.addf %add3A_379, %concatenate3A_503 : vector<5x384xf32>
    %get3A_505 = arith.constant 0 : index
    %get3A_506 = arith.constant 0 : index
    %get3A_507 = vector.load %arg13[%get3A_505, %get3A_506] : memref<384x128xf32, #tpu.memory_space<vmem>>, vector<384x128xf32>
    %dot_general3A_508 = arith.constant dense<0.000000e+00> : vector<5x128xf32>
    %dot_general3A_509 = tpu.matmul %add3A_504, %get3A_507, %dot_general3A_508 {dimension_numbers = #tpu.dot_dimension_numbers<[1], [0], [0], [1], [0, 0, 1, 1], [], []>, transpose_lhs_hint = false} : vector<5x384xf32>, vector<384x128xf32>, vector<5x128xf32> -> vector<5x128xf32>
    %get3A_510 = arith.constant 0 : index
    %get3A_511 = arith.constant 0 : index
    %get3A_512 = vector.load %arg14[%get3A_510, %get3A_511] : memref<1x128xf32, #tpu.memory_space<vmem>>, vector<1x128xf32>
    %add3A_513 = vector.broadcast %get3A_512 : vector<1x128xf32> to vector<5x128xf32>
    %add3A_514 = arith.addf %dot_general3A_509, %add3A_513 : vector<5x128xf32>
    %max3A_515 = arith.constant 0.000000e+00 : f32
    %max3A_516 = vector.broadcast %max3A_515 : f32 to vector<5x128xf32>
    %max3A_517 = arith.maximumf %add3A_514, %max3A_516 : vector<5x128xf32>
    %get3A_518 = arith.constant 0 : index
    %get3A_519 = arith.constant 0 : index
    %get3A_520 = vector.load %arg15[%get3A_518, %get3A_519] : memref<128x64xf32, #tpu.memory_space<vmem>>, vector<128x64xf32>
    %dot_general3A_521 = arith.constant dense<0.000000e+00> : vector<5x64xf32>
    %dot_general3A_522 = tpu.matmul %max3A_517, %get3A_520, %dot_general3A_521 {dimension_numbers = #tpu.dot_dimension_numbers<[1], [0], [0], [1], [0, 0, 1, 1], [], []>, transpose_lhs_hint = false} : vector<5x128xf32>, vector<128x64xf32>, vector<5x64xf32> -> vector<5x64xf32>
    %get3A_523 = arith.constant 0 : index
    %get3A_524 = arith.constant 0 : index
    %get3A_525 = vector.load %arg16[%get3A_523, %get3A_524] : memref<1x64xf32, #tpu.memory_space<vmem>>, vector<1x64xf32>
    %add3A_526 = vector.broadcast %get3A_525 : vector<1x64xf32> to vector<5x64xf32>
    %add3A_527 = arith.addf %dot_general3A_522, %add3A_526 : vector<5x64xf32>
    %max3A_528 = arith.constant 0.000000e+00 : f32
    %max3A_529 = vector.broadcast %max3A_528 : f32 to vector<5x64xf32>
    %max3A_530 = arith.maximumf %add3A_527, %max3A_529 : vector<5x64xf32>
    %get3A_531 = arith.constant 0 : index
    %get3A_532 = arith.constant 0 : index
    %get3A_533 = vector.load %arg17[%get3A_531, %get3A_532] : memref<64x10xf32, #tpu.memory_space<vmem>>, vector<64x10xf32>
    %dot_general3A_534 = arith.constant dense<0.000000e+00> : vector<5x10xf32>
    %dot_general3A_535 = tpu.matmul %max3A_530, %get3A_533, %dot_general3A_534 {dimension_numbers = #tpu.dot_dimension_numbers<[1], [0], [0], [1], [0, 0, 1, 1], [], []>, transpose_lhs_hint = false} : vector<5x64xf32>, vector<64x10xf32>, vector<5x10xf32> -> vector<5x10xf32>
    %get3A_536 = arith.constant 0 : index
    %get3A_537 = arith.constant 0 : index
    %get3A_538 = vector.load %arg18[%get3A_536, %get3A_537] : memref<1x10xf32, #tpu.memory_space<vmem>>, vector<1x10xf32>
    %add3A_539 = vector.broadcast %get3A_538 : vector<1x10xf32> to vector<5x10xf32>
    %add3A_540 = arith.addf %dot_general3A_535, %add3A_539 : vector<5x10xf32>
    %reduce_max3A_541 = arith.constant dense<0xFF800000> : vector<5xf32>
    %reduce_max3A_542 = vector.multi_reduction <maximumf>, %add3A_540, %reduce_max3A_541 [1] : vector<5x10xf32> to vector<5xf32>
    %broadcast_in_dim3A_543 = vector.shape_cast %reduce_max3A_542 : vector<5xf32> to vector<5x1xf32>
    %sub3A = vector.broadcast %broadcast_in_dim3A_543 : vector<5x1xf32> to vector<5x10xf32>
    %sub3A_544 = arith.subf %add3A_540, %sub3A : vector<5x10xf32>
    %exp3A = math.exp %sub3A_544 : vector<5x10xf32>
    %reduce_sum3A_545 = arith.constant dense<0.000000e+00> : vector<5xf32>
    %reduce_sum3A_546 = vector.multi_reduction <add>, %exp3A, %reduce_sum3A_545 [1] : vector<5x10xf32> to vector<5xf32>
    %broadcast_in_dim3A_547 = vector.shape_cast %reduce_sum3A_546 : vector<5xf32> to vector<5x1xf32>
    %log3A = math.log %broadcast_in_dim3A_547 : vector<5x1xf32>
    %sub3A_548 = vector.broadcast %log3A : vector<5x1xf32> to vector<5x10xf32>
    %sub3A_549 = arith.subf %sub3A_544, %sub3A_548 : vector<5x10xf32>
    %swap3A_550 = arith.constant 0 : index
    %swap3A_551 = arith.constant 0 : index
    %swap3A_552 = arith.constant 0 : index
    %swap3A_553 = vector.load %arg19[%swap3A_550, %swap3A_551, %swap3A_552] : memref<1x5x10xf32, #tpu.memory_space<vmem>>, vector<1x5x10xf32>
    %swap3A_554 = vector.shape_cast %swap3A_553 : vector<1x5x10xf32> to vector<5x10xf32>
    %swap3A_555 = vector.shape_cast %sub3A_549 : vector<5x10xf32> to vector<1x5x10xf32>
    tpu.vector_store %arg19[%swap3A_550, %swap3A_551, %swap3A_552], %swap3A_555 {strides = array<i32>} : memref<1x5x10xf32, #tpu.memory_space<vmem>>, vector<1x5x10xf32>,
    return
  }
  func.func @transform_0(%arg0: i32) -> (i32, i32, i32, i32) {
    %c0_i32 = arith.constant 0 : i32
    %c0_i32_0 = arith.constant 0 : i32
    %c0_i32_1 = arith.constant 0 : i32
    %c0_i32_2 = arith.constant 0 : i32
    return %arg0, %c0_i32, %c0_i32_0, %c0_i32_1 : i32, i32, i32, i32
  }
  func.func @transform_1(%arg0: i32) -> (i32, i32, i32, i32) {
    %c0_i32 = arith.constant 0 : i32
    %c0_i32_0 = arith.constant 0 : i32
    %c0_i32_1 = arith.constant 0 : i32
    %c0_i32_2 = arith.constant 0 : i32
    return %arg0, %c0_i32, %c0_i32_0, %c0_i32_1 : i32, i32, i32, i32
  }
  func.func @transform_2(%arg0: i32) -> (i32, i32) {
    %c0_i32 = arith.constant 0 : i32
    %c0_i32_0 = arith.constant 0 : i32
    %c0_i32_1 = arith.constant 0 : i32
    return %c0_i32, %c0_i32_0 : i32, i32
  }
  func.func @transform_3(%arg0: i32) -> (i32, i32) {
    %c0_i32 = arith.constant 0 : i32
    %c0_i32_0 = arith.constant 0 : i32
    %c0_i32_1 = arith.constant 0 : i32
    return %c0_i32, %c0_i32_0 : i32, i32
  }
  func.func @transform_4(%arg0: i32) -> (i32, i32) {
    %c0_i32 = arith.constant 0 : i32
    %c0_i32_0 = arith.constant 0 : i32
    %c0_i32_1 = arith.constant 0 : i32
    return %c0_i32, %c0_i32_0 : i32, i32
  }
  func.func @transform_5(%arg0: i32) -> (i32, i32) {
    %c0_i32 = arith.constant 0 : i32
    %c0_i32_0 = arith.constant 0 : i32
    %c0_i32_1 = arith.constant 0 : i32
    return %c0_i32, %c0_i32_0 : i32, i32
  }
  func.func @transform_6(%arg0: i32) -> (i32, i32) {
    %c0_i32 = arith.constant 0 : i32
    %c0_i32_0 = arith.constant 0 : i32
    %c0_i32_1 = arith.constant 0 : i32
    return %c0_i32, %c0_i32_0 : i32, i32
  }
  func.func @transform_7(%arg0: i32) -> (i32, i32) {
    %c0_i32 = arith.constant 0 : i32
    %c0_i32_0 = arith.constant 0 : i32
    %c0_i32_1 = arith.constant 0 : i32
    return %c0_i32, %c0_i32_0 : i32, i32
  }
  func.func @transform_8(%arg0: i32) -> (i32, i32) {
    %c0_i32 = arith.constant 0 : i32
    %c0_i32_0 = arith.constant 0 : i32
    %c0_i32_1 = arith.constant 0 : i32
    return %c0_i32, %c0_i32_0 : i32, i32
  }
  func.func @transform_9(%arg0: i32) -> (i32, i32) {
    %c0_i32 = arith.constant 0 : i32
    %c0_i32_0 = arith.constant 0 : i32
    %c0_i32_1 = arith.constant 0 : i32
    return %c0_i32, %c0_i32_0 : i32, i32
  }
  func.func @transform_10(%arg0: i32) -> (i32, i32) {
    %c0_i32 = arith.constant 0 : i32
    %c0_i32_0 = arith.constant 0 : i32
    %c0_i32_1 = arith.constant 0 : i32
    return %c0_i32, %c0_i32_0 : i32, i32
  }
  func.func @transform_11(%arg0: i32) -> (i32, i32) {
    %c0_i32 = arith.constant 0 : i32
    %c0_i32_0 = arith.constant 0 : i32
    %c0_i32_1 = arith.constant 0 : i32
    return %c0_i32, %c0_i32_0 : i32, i32
  }
  func.func @transform_12(%arg0: i32) -> (i32, i32) {
    %c0_i32 = arith.constant 0 : i32
    %c0_i32_0 = arith.constant 0 : i32
    %c0_i32_1 = arith.constant 0 : i32
    return %c0_i32, %c0_i32_0 : i32, i32
  }
  func.func @transform_13(%arg0: i32) -> (i32, i32) {
    %c0_i32 = arith.constant 0 : i32
    %c0_i32_0 = arith.constant 0 : i32
    %c0_i32_1 = arith.constant 0 : i32
    return %c0_i32, %c0_i32_0 : i32, i32
  }
  func.func @transform_14(%arg0: i32) -> (i32, i32) {
    %c0_i32 = arith.constant 0 : i32
    %c0_i32_0 = arith.constant 0 : i32
    %c0_i32_1 = arith.constant 0 : i32
    return %c0_i32, %c0_i32_0 : i32, i32
  }
  func.func @transform_15(%arg0: i32) -> (i32, i32) {
    %c0_i32 = arith.constant 0 : i32
    %c0_i32_0 = arith.constant 0 : i32
    %c0_i32_1 = arith.constant 0 : i32
    return %c0_i32, %c0_i32_0 : i32, i32
  }
  func.func @transform_16(%arg0: i32) -> (i32, i32) {
    %c0_i32 = arith.constant 0 : i32
    %c0_i32_0 = arith.constant 0 : i32
    %c0_i32_1 = arith.constant 0 : i32
    return %c0_i32, %c0_i32_0 : i32, i32
  }
  func.func @transform_17(%arg0: i32) -> (i32, i32) {
    %c0_i32 = arith.constant 0 : i32
    %c0_i32_0 = arith.constant 0 : i32
    %c0_i32_1 = arith.constant 0 : i32
    return %c0_i32, %c0_i32_0 : i32, i32
  }
  func.func @transform_18(%arg0: i32) -> (i32, i32, i32) {
    %c0_i32 = arith.constant 0 : i32
    %c0_i32_0 = arith.constant 0 : i32
    %c0_i32_1 = arith.constant 0 : i32
    return %arg0, %c0_i32, %c0_i32_0 : i32, i32, i32
  }
}

</mosaic_0001>

<sc_bundles>
// kernel: kernel.4.cloned.1.call-start
scs
__scs_entry_jumppad:
0x0: {  	(pc) =	sbr.rel $0x88, $3  }
0x1: {  	(tag) =	ssettag $0x0;
	lr =	simm.s32 $0x1  }
0x2: {  	[smem:$0x3F8F] =	sst lr;
	_ =	strace $0xD0000000  }
0x3: {  	_ = 	snop  }
0x4: {  	_ = 	snop  }
0x5: {  	_ = 	snop  }
0x6: {  	_ = 	snop  }
0x7: {  	_ = 	snop  }
__scs_overlays_trampoline_lowered:
0x8: {  	[smem:$0x3F9E] =	sst s0  }
0x9: {  	[smem:$0x3F9F] =	sst s1  }
0xa: {  	[smem:$0x3FA0] =	sst s2  }
0xb: {  	[smem:$0x3FA1] =	sst s3  }
0xc: {  	[smem:$0x3FA2] =	sst s4  }
0xd: {  	[smem:$0x3FA3] =	sst s5  }
0xe: {  	[smem:$0x3FA4] =	sst s6  }
0xf: {  	[smem:$0x3FA5] =	sst s7  }
0x10: {  	[smem:$0x3FA6] =	sst s8  }
0x11: {  	[smem:$0x3FA7] =	sst s9;
	s0 =	simm.s32 @!p0 $0x0  }
0x12: {  	s1 =	sld [smem:$0x3F8D];
	s0 =	simm.s32 @p0 $0x1  }
0x13: {  	[smem:$0x3FA8] =	sst s0;
	s0 =	simm.s32 @!p1 $0x0  }
0x14: {  	s2 =	sld [smem:$0x3F8C];
	s0 =	simm.s32 @p1 $0x1  }
0x15: {  	[smem:$0x3FA9] =	sst s0;
	s0 =	simm.s32 @!p2 $0x0  }
0x16: {  	s3 =	sld [smem:$0x3FDB];
	s0 =	simm.s32 @p2 $0x1  }
0x17: {  	s4 =	simm.s32 $0x1BF5;
	[smem:$0x3FAB] =	sst s0  }
0x18: {  	s0 =	sld [smem:$0x3F8E];
	_ =	swait.ge [sflag:s4], $0x0  }
0x19: {  	s7 =	sld [smem:$0x3F8F]  }
0x1a: {  	s8 =	sadd.s32 $0xFFFFE003, lr  }
0x1b: {  	s9 =	sadd.s32 $0xFFFFFEF7, lr;
	s5 =	simm.s32 $0xFFFFFFFF;
	p2 =	slt.u32 s8, $0xFFFFF086  }
0x1c: {  	p1 =	slt.u32 s9, $0xF7A;
	s5 =	simm.s32 @!p2 $0x0  }
0x1d: {  	s5 =	simm.s32 @p1 $0x1;
	p0 =	seq.s32 s7, s2  }
0x1e: {  	s7 =	smul.u32 @!p0 $0xF7A, s2;
	p2 =	seq.s32 @!p0 s5, $0x0  }
0x1f: {  	s9 =	smul.u32 $0xF7A, s1;
	s8 =	simm.s32 @!p0 $0x1BF5;
	p2 =	por !p2, p0  }
0x20: {  	[sflag:s8] =	ssyncset.s32 @!p0 $0xFFFFF086;
	s6 =	sadd.s32 @!p0 s3, s7;
	s7 =	simm.s32 @!p0 $0x108  }
0x21: {  	s3 =	sadd.s32 s3, s9;
	s6 =	sadd.s32 @!p0 $0x88, s6;
	s7 =	simm.s32 @p2 $0x1082  }
0x22: {  	[simem:s7], [sflag:s8] =	dma.local @!p0 [hbm:s6], $0xF7A  }
0x23: {  	s9 =	sor.u32 $0xD0000000, s2;
	s6 =	simm.s32 $0x108;
	_ =	swait.ge @!p0 [sflag:s8], $0x0  }
0x24: {  	s3 =	sadd.s32 $0x88, s3;
	s6 =	simm.s32 @!p1 $0x1082;
	[sflag:s4] =	ssyncset.s32 $0xFFFFF086  }
0x25: {  	[simem:s6], [sflag:s4] =	dma.local [hbm:s3], $0xF7A  }
0x26: {  	[smem:$0x3F8F] =	sst s1;
	(tag) =	ssettag s2;
	_ =	strace s9  }
0x27: {  	s1 =	sld [smem:$0x3F9F]  }
0x28: {  	s2 =	sld [smem:$0x3FA0]  }
0x29: {  	s4 =	sld [smem:$0x3FA2]  }
0x2a: {  	p0 =	seq.s32 s5, $0x0;
	s5 =	sld [smem:$0x3FA3]  }
0x2b: {  	s6 =	sld [smem:$0x3FA4]  }
0x2c: {  	s7 =	sld [smem:$0x3FA5]  }
0x2d: {  	s3 =	simm.s32 $0x108;
	s8 =	sld [smem:$0x3FA6]  }
0x2e: {  	s3 =	simm.s32 @!p0 $0x1082;
	s9 =	sld [smem:$0x3FA7]  }
0x2f: {  	lr =	sadd.s32 s0, s3;
	s0 =	sld [smem:$0x3F9E]  }
0x30: {  	s3 =	sld [smem:$0x3FA1]  }
0x31: {  	[smem:$0x3FAA] =	sst s10  }
0x32: {  	s10 =	sld [smem:$0x3FA8];
	_ =	sdelay $0x3  }
0x33: {  	p0 =	seq.s32 s10, $0x1;
	s10 =	sld [smem:$0x3FAA];
	_ =	sdelay $0x3  }
0x34: {  	[smem:$0x3FAA] =	sst s10  }
0x35: {  	s10 =	sld [smem:$0x3FA9];
	_ =	sdelay $0x3  }
0x36: {  	p1 =	seq.s32 s10, $0x1;
	s10 =	sld [smem:$0x3FAA];
	_ =	sdelay $0x3  }
0x37: {  	[smem:$0x3FAA] =	sst s10  }
0x38: {  	s10 =	sld [smem:$0x3FAB]  }
0x39: {  	_ = 	snop;
	(pc) =	sbr.ind lr, $3  }
0x3a: {  	_ = 	snop  }
0x3b: {  	_ = 	snop  }
0x3c: {  	p2 =	seq.s32 s10, $0x1;
	s10 =	sld [smem:$0x3FAA]  }
0x3d: {  	_ =	shalt  }
0x3e: {  	_ =	shalt  }
0x3f: {  	_ =	shalt  }
0x40: {  	_ =	shalt  }
0x41: {  	_ =	shalt  }
0x42: {  	_ =	shalt  }
0x43: {  	_ =	shalt  }
0x44: {  	_ =	shalt  }
0x45: {  	_ =	shalt  }
0x46: {  	_ =	shalt  }
0x47: {  	_ =	shalt  }
0x48: {  	_ =	shalt  }
0x49: {  	_ =	shalt  }
0x4a: {  	_ =	shalt  }
0x4b: {  	_ =	shalt  }
0x4c: {  	_ =	shalt  }
0x4d: {  	_ =	shalt  }
0x4e: {  	_ =	shalt  }
0x4f: {  	_ =	shalt  }
0x50: {  	_ =	shalt  }
0x51: {  	_ =	shalt  }
0x52: {  	_ =	shalt  }
0x53: {  	_ =	shalt  }
0x54: {  	_ =	shalt  }
0x55: {  	_ =	shalt  }
0x56: {  	_ =	shalt  }
0x57: {  	_ =	shalt  }
0x58: {  	_ =	shalt  }
0x59: {  	_ =	shalt  }
0x5a: {  	_ =	shalt  }
0x5b: {  	_ =	shalt  }
0x5c: {  	_ =	shalt  }
0x5d: {  	_ =	shalt  }
0x5e: {  	_ =	shalt  }
0x5f: {  	_ =	shalt  }
0x60: {  	_ =	shalt  }
0x61: {  	_ =	shalt  }
0x62: {  	_ =	shalt  }
0x63: {  	_ =	shalt  }
0x64: {  	_ =	shalt  }
0x65: {  	_ =	shalt  }
0x66: {  	_ =	shalt  }
0x67: {  	_ =	shalt  }
0x68: {  	_ =	shalt  }
0x69: {  	_ =	shalt  }
0x6a: {  	_ =	shalt  }
0x6b: {  	_ =	shalt  }
0x6c: {  	_ =	shalt  }
0x6d: {  	_ =	shalt  }
0x6e: {  	_ =	shalt  }
0x6f: {  	_ =	shalt  }
0x70: {  	_ =	shalt  }
0x71: {  	_ =	shalt  }
0x72: {  	_ =	shalt  }
0x73: {  	_ =	shalt  }
0x74: {  	_ =	shalt  }
0x75: {  	_ =	shalt  }
0x76: {  	_ =	shalt  }
0x77: {  	_ =	shalt  }
0x78: {  	_ =	shalt  }
0x79: {  	_ =	shalt  }
0x7a: {  	_ =	shalt  }
0x7b: {  	_ =	shalt  }
0x7c: {  	_ =	shalt  }
0x7d: {  	_ =	shalt  }
0x7e: {  	_ =	shalt  }
0x7f: {  	_ =	shalt  }
0x80: {  	_ =	shalt  }
0x81: {  	_ =	shalt  }
0x82: {  	_ =	shalt  }
0x83: {  	_ =	shalt  }
0x84: {  	_ =	shalt  }
0x85: {  	_ =	shalt  }
0x86: {  	_ =	shalt  }
0x87: {  	_ =	shalt  }
.Lfunc_end0:
.L_simem_size_0:
called_computation_lowered:
.L_overlay_start_0:
0x88: {  	s2 =	sld [smem:$0x3FD9]  }
0x89: {  	s3 =	sld [smem:$0x3FFE];
	_ =	sdelay $0x1  }
0x8a: {  	s1 =	srdreg.scid  }
0x8b: {  	s0 =	sand.u32 $0x1, s1  }
0x8c: {  	s16 =	sshll.u32 s0, $0xA;
	s2 =	sadd.s32 s3, s2  }
0x8d: {  	s2 =	sadd.s32 s2, s16  }
0x8e: {  	[smem:$0x3FB6] =	sst s2  }
0x8f: {  	_ = 	snop  }
0x90: {  	(tm) =	ssettm $0x1  }
0x91: {  	s17 =	sld [smem:$0x3FFB];
	_ =	sdelay $0x3  }
0x92: {  	_ =	strace s17  }
0x93: {  	s2 =	sld [smem:$0x3FFC];
	_ =	sdelay $0x3  }
0x94: {  	_ =	strace s2  }
0x95: {  	s2 =	sld [smem:$0x3FFD];
	_ =	sdelay $0x3  }
0x96: {  	_ =	strace s2  }
0x97: {  	_ =	strace $0x8FFFFFFF  }
0x98: {  	s18 =	sld [smem:$0x3FDB];
	_ =	sdelay $0x1  }
0x99: {  	s19 =	simm.s32 $_scs_section_size  }
0x9a: {  	s4 =	simm.s32 $_size__tile_overlayer_lowered;
	s5 =	simm.s32 $_tile_overlayer_lowered  }
0x9b: {  	s22 =	simm.s32 $0x1BFF;
	s21 =	sshll.u32 s5, $0x1;
	s2 =	sadd.s32 s19, s18  }
0x9c: {  	s6 =	simm.s32 $0x0;
	s20 =	sshll.u32 s4, $0x1;
	s4 =	sadd.s32 s21, s2  }
0x9d: {  	[timem:s6], [sflag:s22] =	dma.local [hbm:s4], s20  }
0x9e: {  	_ =	swait.ge [sflag:s22], s20  }
0x9f: {  	s3 =	ssub.s32 $0x0, s20;
	[sflag:s22] =	ssyncset.done $0x0  }
0xa0: {  	[sflag:s22] =	ssyncadd.s32 s3;
	_ =	sdelay $0x1  }
0xa1: {  	s23 =	simm.s32 $0x1B8B  }
0xa2: {  	_ =	swait.ge [sflag:s23], $0x1  }
0xa3: {  	[sflag:s23] =	ssyncset.done $0x0  }
0xa4: {  	s25 =	simm.s32 $0x1B8E;
	s24 =	sld [smem:$0x3FFE];
	[sflag:s23] =	ssyncadd.s32 $0xFFFFFFFF  }
0xa5: {  	s26 =	simm.s32 $execute0_lowered;
	[smem:$0x3FD2] =	sst s25  }
0xa6: {  	s4 =	sshll.u32 s26, $0x1;
	_ =	strace $0x80000046;
	[dreg:$0x1] =	wrdreg $0xFFFFFFFF  }
0xa7: {  	s28 =	simm.s32 $_size_execute0_lowered;
	s2 =	sadd.s32 s2, s4;
	[dreg:$0x0] =	wrdreg $0x0  }
0xa8: {  	s4 =	sshll.u32 s28, $0x1;
	[dreg:$0x2] =	wrdreg s2  }
0xa9: {  	[dreg:$0x3] =	wrdreg s4  }
0xaa: {  	[dreg:$0x4] =	wrdreg $0xC0  }
0xab: {  	_ =	task [dreg:s6], $0x5FFFF  }
0xac: {  	[dreg:$0x1] =	wrdreg $0xFFFFFFFF  }
0xad: {  	[dreg:$0x0] =	wrdreg $0x60  }
0xae: {  	[dreg:$0x2] =	wrdreg s24  }
0xaf: {  	[dreg:$0x3] =	wrdreg $0x9  }
0xb0: {  	_ =	task.clear_ibuf [dreg:s6], $0x4FFFF;
	_ =	strace $0x90000046  }
0xb1: {  	s29 =	simm.s32 $0x9;
	_ =	strace $0x80000048  }
0xb2: {  	_ =	swait.ge [sflag:s29], $0x1  }
0xb3: {  	[sflag:s29] =	ssyncadd.s32 $0xFFFFFFFF  }
0xb4: {  	_ =	strace $0x90000048  }
0xb5: {  	_ =	sfence  }
0xb6: {  	s30 =	sld [smem:$0x0];
	_ =	sdelay $0x2  }
0xb7: {  	s31 =	sshll.u32 s1, $0xD;
	s1 =	sshrl.u32 s1, $0x2  }
0xb8: {  	s3 =	sand.u32 $0x4000, s31;
	s1 =	sadd.s32 s1, s30  }
0xb9: {  	s0 =	sor.u32 s3, s0;
	s1 =	sshll.u32 s1, $0x11  }
0xba: {  	s0 =	sor.u32 s1, s0  }
0xbb: {  	s0 =	sadd.s32 $0x8F2B, s0  }
0xbc: {  	[sflag:s0] =	ssyncadd.remote.s32 $0x1  }
0xbd: {  	_ =	sfence.sel $0xFFFF  }
0xbe: {  	[dreg:$0x0] =	wrdreg $0xFFFFFFFF;
	(pc) =	sbr.abs _section_cstart, $3  }
0xbf: {  	[dreg:$0x1] =	wrdreg $0xFFFFFFFF  }
0xc0: {  	_ =	task.clear_ibuf [dreg:s6], $0x2FFFF;
	_ =	strace $0x9FFFFFFF  }
0xc1: {  	(tm) =	ssettm $0x7FFFFFFF  }
tec
execute0_lowered:
.L_overlay_start_1:
0x0: {  	(tag) =	ssettag $0x1  }
0x1: {  	s1 =	srdreg.scid;
	s0 =	stileid.u32  }
0x2: {  	s8 =	sand.u32 $0x1, s1;
	s4 =	sshll.u32 s0, $0x1  }
0x3: {  	s5 =	sor.u32 s8, s4  }
0x4: {  	p0 =	sgt.u32 s5, $0x18  }
.Ltmp0:
0x5: {  	_ = 	snop;
	(pc) =	sbr.rel @p0 .LBB2_19-.Ltmp0, $4  }
0x6: {  	_ = 	snop  }
0x7: {  	s3 =	rddreg [dreg:$0x0];
	s2 =	simm.s32 $0x0  }
0x8: {  	[smem:$0x7FF] =	sst s2  }
0x9: {  	s1 =	rddreg [dreg:$0x1];
	_ =	strace $0x80000047  }
0xa: {  	s6 =	smul.u32 $0x6400, s0;
	s14 =	sadd.s32 $0xC400, s3;
	s4 =	sshll.u32 s8, $0x9  }
0xb: {  	s12 =	sadd.s32 $0x2000, s3;
	s9 =	smul.u32 $0x13C00, s0;
	s10 =	sadd.s32 $0x16800, s3  }
0xc: {  	s11 =	sshll.u32 s5, $0x2;
	s16 =	smul.u32 $0x190, s5;
	s19 =	sshllo.u32 s5, $0x2  }
0xd: {  	s29 =	ssub.s32 $0x2, s8;
	s31 =	sor.u32 $0x1, s11;
	s17 =	sor.u32 $0x2, s11  }
0xe: {  	s23 =	sshll.u32 s19, $0x7;
	s30 =	sshrl.u32 s29, $0x1;
	s19 =	smul.u32 $0x64, s19  }
0xf: {  	s7 =	sor.u32 s4, s6;
	s4 =	sor.u32 s4, s9;
	s25 =	smul.u32 $0x64, s31  }
0x10: {  	s13 =	sshll.u32 s31, $0x7;
	s18 =	sshll.u32 s17, $0x7;
	s17 =	smul.u32 $0x64, s17  }
0x11: {  	v0 =	vmov s16;
	s16 =	simm.s32 $0x80;
	s15 =	sshrl.u32 s7, $0x3;
	s4 =	sshrl.u32 s4, $0x3  }
0x12: {  	s13 =	sand.u32 $0x280, s13;
	s22 =	sand.u32 $0x300, s18;
	s18 =	sand.u32 $0x380, s23  }
0x13: {  	v3 =	vmov s19;
	s19 =	simm.s32 $0xC80;
	s3 =	sadd.s32 s12, s15;
	s4 =	sadd.s32 s10, s4  }
0x14: {  	s21 =	sor.u32 s6, s13;
	s13 =	sor.u32 s9, s13;
	s20 =	sor.u32 s6, s22  }
0x15: {  	v2 =	vmov s17;
	s17 =	simm.s32 $0x400;
	s11 =	sshrl.u32 s21, $0x3;
	s21 =	sor.u32 s9, s22  }
0x16: {  	s22 =	sor.u32 s6, s18;
	s9 =	sor.u32 s9, s18;
	s24 =	sshrl.u32 s13, $0x3  }
0x17: {  	s26 =	sshrl.u32 s20, $0x3;
	s20 =	ssub.s32 s29, s30;
	s18 =	simm.s32 $0x1  }
0x18: {  	s5 =	sadd.s32 s14, s11;
	s6 =	sadd.s32 s12, s11;
	s7 =	sadd.s32 s10, s24  }
0x19: {  	s28 =	sshrl.u32 s21, $0x3;
	s9 =	sshrl.u32 s9, $0x3;
	s31 =	sshrl.u32 s22, $0x3  }
0x1a: {  	s11 =	sadd.s32 s12, s26;
	s8 =	sadd.s32 s10, s28;
	s9 =	sadd.s32 s10, s9  }
0x1b: {  	s10 =	sadd.s32 s14, s26;
	s12 =	sadd.s32 s12, s31;
	s13 =	sadd.s32 s14, s31  }
0x1c: {  	v4 =	vimm.f32 $0.0e+00;
	v5 =	vimm.f32 $1.000000000e+00;
	v1 =	vmov s25;
	s14 =	sadd.s32 s14, s15;
	s15 =	smax.u32 s20, $0x1;
	s20 =	simm.s32 $0x1900  }
.LBB2_2:
0x1d: {  	s21 =	simm.s32 $0x0  }
0x1e: {  	[tilespmem:s21], [sflag:$0x1] =	stream.strided.gather [hbm4b:s14+s16], $0xC80, s17, s16, $0x38;
	[tilespmem:$0x4080] =	vst v63  }
0x1f: {  	_ =	swait.ge [sflag:s18], $0xC80  }
0x20: {  	[sflag:s18] =	ssyncset.done $0x0  }
0x21: {  	[sflag:s18] =	ssyncadd.s32 $0xFFFFF380  }
0x22: {  	[tilespmem:s19], [sflag:$0x1] =	stream.strided.gather [hbm4b:s3+s16], $0xC80, s17, s16, $0x38;
	[tilespmem:$0x4080] =	vst v63  }
0x23: {  	_ =	swait.ge [sflag:s18], $0xC80  }
0x24: {  	[sflag:s18] =	ssyncset.done $0x0  }
0x25: {  	s22 =	simm.s32 $0x0;
	s21 =	simm.s32 $0x40;
	[sflag:s18] =	ssyncadd.s32 $0xFFFFF380  }
.LBB2_3:
0x26: {  	p0 =	sne.s32 s21, $0x9C00;
	[tilespmem:s22+$0x1900] =	vst v4;
	s22 =	smov.u32 s21;
	s21 =	sadd.s32 $0x40, s21  }
.Ltmp1:
0x27: {  	(pc) =	sbr.rel @p0 .LBB2_3-.Ltmp1, $2  }
0x28: {  	_ =	sdelay $0x2  }
0x29: {  	s22 =	sshra.s32 s22, $0x2  }
0x2a: {  	[tilespmem:s22+$0x1900] =	vst v4;
	s22 =	simm.s32 $0x0;
	s21 =	simm.s32 $0x40  }
.LBB2_5:
0x2b: {  	p0 =	sne.s32 s21, $0x31C0;
	v6 =	vld [tilespmem:s22+$0xC80];
	_ =	sdelay $0x1  }
0x2c: {  	v7 =	vld [tilespmem:s22+$0x0];
	_ =	sdelay $0x2  }
0x2d: {  	v6 =	vsub.s32 v6, v0  }
0x2e: {  	v6 =	vmul.u32 $0x64, v6  }
0x2f: {  	v7 =	vsub.s32 v7, v0  }
0x30: {  	v6 =	vadd.s32 v6, v7  }
.Ltmp2:
0x31: {  	(pc) =	sbr.rel @p0 .LBB2_5-.Ltmp2, $2  }
0x32: {  	_ =	sdelay $0x2  }
0x33: {  	s22 =	sshra.s32 s21, $0x2;
	s21 =	sadd.s32 $0x40, s21;
	[tilespmem:v6+s20+$0x0] =	vst.idx.add.f32.msk $0xffff, v5  }
0x34: {  	v6 =	vld [tilespmem:s22+$0xC80];
	_ =	sdelay $0x1  }
0x35: {  	v7 =	vld [tilespmem:s22+$0x0];
	_ =	sdelay $0x2  }
0x36: {  	v6 =	vsub.s32 v6, v0  }
0x37: {  	v6 =	vmul.u32 $0x64, v6  }
0x38: {  	v7 =	vsub.s32 v7, v0  }
0x39: {  	v6 =	vadd.s32 v6, v7;
	_ =	sdelay $0x4  }
0x3a: {  	[tilespmem:v6+s20+$0x0] =	vst.idx.add.f32.msk $0xffff, v5  }
0x3b: {  	[hbm4b:s4+s16] =	stream.strided.scatter [tilespmem:s20], [sflag:$0x1], $0x2780, s17, s16, $0x38;
	[tilespmem:$0x4080] =	vst v63  }
0x3c: {  	_ =	swait.ge [sflag:s18], $0x2780  }
0x3d: {  	[sflag:s18] =	ssyncset.done $0x0  }
0x3e: {  	s21 =	simm.s32 $0x0;
	[sflag:s18] =	ssyncadd.s32 $0xFFFFD880  }
0x3f: {  	[tilespmem:s21], [sflag:$0x1] =	stream.strided.gather [hbm4b:s5+s16], $0xC80, s17, s16, $0x38;
	[tilespmem:$0x4080] =	vst v63  }
0x40: {  	_ =	swait.ge [sflag:s18], $0xC80  }
0x41: {  	[sflag:s18] =	ssyncset.done $0x0  }
0x42: {  	[sflag:s18] =	ssyncadd.s32 $0xFFFFF380  }
0x43: {  	[tilespmem:s19], [sflag:$0x1] =	stream.strided.gather [hbm4b:s6+s16], $0xC80, s17, s16, $0x38;
	[tilespmem:$0x4080] =	vst v63  }
0x44: {  	_ =	swait.ge [sflag:s18], $0xC80  }
0x45: {  	[sflag:s18] =	ssyncset.done $0x0  }
0x46: {  	s22 =	simm.s32 $0x0;
	s21 =	simm.s32 $0x40;
	[sflag:s18] =	ssyncadd.s32 $0xFFFFF380  }
.LBB2_7:
0x47: {  	p0 =	sne.s32 s21, $0x9C00;
	[tilespmem:s22+$0x1900] =	vst v4;
	s22 =	smov.u32 s21;
	s21 =	sadd.s32 $0x40, s21  }
.Ltmp3:
0x48: {  	(pc) =	sbr.rel @p0 .LBB2_7-.Ltmp3, $2  }
0x49: {  	_ =	sdelay $0x2  }
0x4a: {  	s22 =	sshra.s32 s22, $0x2  }
0x4b: {  	[tilespmem:s22+$0x1900] =	vst v4;
	s22 =	simm.s32 $0x0;
	s21 =	simm.s32 $0x40  }
.LBB2_9:
0x4c: {  	p0 =	sne.s32 s21, $0x31C0;
	v6 =	vld [tilespmem:s22+$0xC80];
	_ =	sdelay $0x1  }
0x4d: {  	v7 =	vld [tilespmem:s22+$0x0];
	_ =	sdelay $0x2  }
0x4e: {  	v6 =	vsub.s32 v6, v1  }
0x4f: {  	v6 =	vmul.u32 $0x64, v6  }
0x50: {  	v7 =	vsub.s32 v7, v1  }
0x51: {  	v6 =	vadd.s32 v6, v7  }
.Ltmp4:
0x52: {  	(pc) =	sbr.rel @p0 .LBB2_9-.Ltmp4, $2  }
0x53: {  	_ =	sdelay $0x2  }
0x54: {  	s22 =	sshra.s32 s21, $0x2;
	s21 =	sadd.s32 $0x40, s21;
	[tilespmem:v6+s20+$0x0] =	vst.idx.add.f32.msk $0xffff, v5  }
0x55: {  	v6 =	vld [tilespmem:s22+$0xC80];
	_ =	sdelay $0x1  }
0x56: {  	v7 =	vld [tilespmem:s22+$0x0];
	_ =	sdelay $0x2  }
0x57: {  	v6 =	vsub.s32 v6, v1  }
0x58: {  	v6 =	vmul.u32 $0x64, v6  }
0x59: {  	v7 =	vsub.s32 v7, v1  }
0x5a: {  	v6 =	vadd.s32 v6, v7;
	_ =	sdelay $0x4  }
0x5b: {  	[tilespmem:v6+s20+$0x0] =	vst.idx.add.f32.msk $0xffff, v5  }
0x5c: {  	[hbm4b:s7+s16] =	stream.strided.scatter [tilespmem:s20], [sflag:$0x1], $0x2780, s17, s16, $0x38;
	[tilespmem:$0x4080] =	vst v63  }
0x5d: {  	_ =	swait.ge [sflag:s18], $0x2780  }
0x5e: {  	[sflag:s18] =	ssyncset.done $0x0  }
0x5f: {  	s21 =	simm.s32 $0x0;
	[sflag:s18] =	ssyncadd.s32 $0xFFFFD880  }
0x60: {  	[tilespmem:s21], [sflag:$0x1] =	stream.strided.gather [hbm4b:s10+s16], $0xC80, s17, s16, $0x38;
	[tilespmem:$0x4080] =	vst v63  }
0x61: {  	_ =	swait.ge [sflag:s18], $0xC80  }
0x62: {  	[sflag:s18] =	ssyncset.done $0x0  }
0x63: {  	[sflag:s18] =	ssyncadd.s32 $0xFFFFF380  }
0x64: {  	[tilespmem:s19], [sflag:$0x1] =	stream.strided.gather [hbm4b:s11+s16], $0xC80, s17, s16, $0x38;
	[tilespmem:$0x4080] =	vst v63  }
0x65: {  	_ =	swait.ge [sflag:s18], $0xC80  }
0x66: {  	[sflag:s18] =	ssyncset.done $0x0  }
0x67: {  	s22 =	simm.s32 $0x0;
	s21 =	simm.s32 $0x40;
	[sflag:s18] =	ssyncadd.s32 $0xFFFFF380  }
.LBB2_11:
0x68: {  	p0 =	sne.s32 s21, $0x9C00;
	[tilespmem:s22+$0x1900] =	vst v4;
	s22 =	smov.u32 s21;
	s21 =	sadd.s32 $0x40, s21  }
.Ltmp5:
0x69: {  	(pc) =	sbr.rel @p0 .LBB2_11-.Ltmp5, $2  }
0x6a: {  	_ =	sdelay $0x2  }
0x6b: {  	s22 =	sshra.s32 s22, $0x2  }
0x6c: {  	[tilespmem:s22+$0x1900] =	vst v4;
	s22 =	simm.s32 $0x0;
	s21 =	simm.s32 $0x40  }
.LBB2_13:
0x6d: {  	p0 =	sne.s32 s21, $0x31C0;
	v6 =	vld [tilespmem:s22+$0xC80];
	_ =	sdelay $0x1  }
0x6e: {  	v7 =	vld [tilespmem:s22+$0x0];
	_ =	sdelay $0x2  }
0x6f: {  	v6 =	vsub.s32 v6, v2  }
0x70: {  	v6 =	vmul.u32 $0x64, v6  }
0x71: {  	v7 =	vsub.s32 v7, v2  }
0x72: {  	v6 =	vadd.s32 v6, v7  }
.Ltmp6:
0x73: {  	(pc) =	sbr.rel @p0 .LBB2_13-.Ltmp6, $2  }
0x74: {  	_ =	sdelay $0x2  }
0x75: {  	s22 =	sshra.s32 s21, $0x2;
	s21 =	sadd.s32 $0x40, s21;
	[tilespmem:v6+s20+$0x0] =	vst.idx.add.f32.msk $0xffff, v5  }
0x76: {  	v6 =	vld [tilespmem:s22+$0xC80];
	_ =	sdelay $0x1  }
0x77: {  	v7 =	vld [tilespmem:s22+$0x0];
	_ =	sdelay $0x2  }
0x78: {  	v6 =	vsub.s32 v6, v2  }
0x79: {  	v6 =	vmul.u32 $0x64, v6  }
0x7a: {  	v7 =	vsub.s32 v7, v2  }
0x7b: {  	v6 =	vadd.s32 v6, v7;
	_ =	sdelay $0x4  }
0x7c: {  	[tilespmem:v6+s20+$0x0] =	vst.idx.add.f32.msk $0xffff, v5  }
0x7d: {  	[hbm4b:s8+s16] =	stream.strided.scatter [tilespmem:s20], [sflag:$0x1], $0x2780, s17, s16, $0x38;
	[tilespmem:$0x4080] =	vst v63  }
0x7e: {  	_ =	swait.ge [sflag:s18], $0x2780  }
0x7f: {  	[sflag:s18] =	ssyncset.done $0x0  }
0x80: {  	s21 =	simm.s32 $0x0;
	[sflag:s18] =	ssyncadd.s32 $0xFFFFD880  }
0x81: {  	[tilespmem:s21], [sflag:$0x1] =	stream.strided.gather [hbm4b:s13+s16], $0xC80, s17, s16, $0x38;
	[tilespmem:$0x4080] =	vst v63  }
0x82: {  	_ =	swait.ge [sflag:s18], $0xC80  }
0x83: {  	[sflag:s18] =	ssyncset.done $0x0  }
0x84: {  	[sflag:s18] =	ssyncadd.s32 $0xFFFFF380  }
0x85: {  	[tilespmem:s19], [sflag:$0x1] =	stream.strided.gather [hbm4b:s12+s16], $0xC80, s17, s16, $0x38;
	[tilespmem:$0x4080] =	vst v63  }
0x86: {  	_ =	swait.ge [sflag:s18], $0xC80  }
0x87: {  	[sflag:s18] =	ssyncset.done $0x0  }
0x88: {  	s22 =	simm.s32 $0x0;
	s21 =	simm.s32 $0x40;
	[sflag:s18] =	ssyncadd.s32 $0xFFFFF380  }
.LBB2_15:
0x89: {  	p0 =	sne.s32 s21, $0x9C00;
	[tilespmem:s22+$0x1900] =	vst v4;
	s22 =	smov.u32 s21;
	s21 =	sadd.s32 $0x40, s21  }
.Ltmp7:
0x8a: {  	(pc) =	sbr.rel @p0 .LBB2_15-.Ltmp7, $2  }
0x8b: {  	_ =	sdelay $0x2  }
0x8c: {  	s22 =	sshra.s32 s22, $0x2  }
0x8d: {  	[tilespmem:s22+$0x1900] =	vst v4;
	s22 =	simm.s32 $0x0;
	s21 =	simm.s32 $0x40  }
.LBB2_17:
0x8e: {  	p0 =	sne.s32 s21, $0x31C0;
	v6 =	vld [tilespmem:s22+$0xC80];
	_ =	sdelay $0x1  }
0x8f: {  	v7 =	vld [tilespmem:s22+$0x0];
	_ =	sdelay $0x2  }
0x90: {  	v6 =	vsub.s32 v6, v3  }
0x91: {  	v6 =	vmul.u32 $0x64, v6  }
0x92: {  	v7 =	vsub.s32 v7, v3  }
0x93: {  	v6 =	vadd.s32 v6, v7  }
.Ltmp8:
0x94: {  	(pc) =	sbr.rel @p0 .LBB2_17-.Ltmp8, $2  }
0x95: {  	_ =	sdelay $0x2  }
0x96: {  	s22 =	sshra.s32 s21, $0x2;
	s21 =	sadd.s32 $0x40, s21;
	[tilespmem:v6+s20+$0x0] =	vst.idx.add.f32.msk $0xffff, v5  }
0x97: {  	v6 =	vld [tilespmem:s22+$0xC80];
	_ =	sdelay $0x1  }
0x98: {  	v7 =	vld [tilespmem:s22+$0x0];
	_ =	sdelay $0x2  }
0x99: {  	v6 =	vsub.s32 v6, v3  }
0x9a: {  	v6 =	vmul.u32 $0x64, v6  }
0x9b: {  	v7 =	vsub.s32 v7, v3  }
0x9c: {  	v6 =	vadd.s32 v6, v7;
	_ =	sdelay $0x2  }
0x9d: {  	s2 =	sadd.s32 $0x1, s2  }
0x9e: {  	p0 =	sne.s32 s2, s15  }
.Ltmp9:
0x9f: {  	[tilespmem:v6+s20+$0x0] =	vst.idx.add.f32.msk $0xffff, v5;
	(pc) =	sbr.rel @p0 .LBB2_2-.Ltmp9, $4  }
0xa0: {  	[hbm4b:s9+s16] =	stream.strided.scatter [tilespmem:s20], [sflag:$0x1], $0x2780, s17, s16, $0x38;
	[tilespmem:$0x4080] =	vst v63  }
0xa1: {  	_ =	swait.ge [sflag:s18], $0x2780  }
0xa2: {  	[sflag:s18] =	ssyncset.done $0x0  }
0xa3: {  	[sflag:s18] =	ssyncadd.s32 $0xFFFFD880  }
.LBB2_19:
0xa4: {  	_ =	sfence.sel $0x180000  }
0xa5: {  	[bflag:$0x0] =	sbarrier.arrive $0xFFFF  }
0xa6: {  	p0 =	sne.s32 s0, $0x0;
	_ =	strace $0x90000047  }
0xa7: {  	s0 =	sadd.s32 @!p0 $0x100000, s1;
	[bflag:$0x2] =	sbarrier.arrive $0xFFFF  }
0xa8: {  	[sflag:s0] =	ssyncadd.tile.s32 @!p0 $0x1;
	_ =	shalt  }
.Lfunc_end2:
_tile_overlayer_lowered:
.L_overlay_start_2:
0xa9: {  	(tag) =	ssettag $0x2  }
0xaa: {  	s0 =	rddreg [dreg:$0x0];
	s2 =	stileid.u32  }
0xab: {  	s1 =	rddreg [dreg:$0x1];
	p0 =	sne.s32 s2, $0x0  }
0xac: {  	s3 =	rddreg [dreg:$0x2];
	[bflag:$0x3] =	sbarrier.arrive $0xFFFF;
	s2 =	simm.s32 @!p0 $0x1C01  }
0xad: {  	[timem:s3], [sflag:s2] =	dma.local @!p0 [hbm:s0], s1  }
0xae: {  	s0 =	simm.s32 @!p0 $0x1  }
0xaf: {  	_ =	swait.ge @!p0 [sflag:s0], s1  }
0xb0: {  	s1 =	ssub.s32 @!p0 $0x0, s1;
	[sflag:s0] =	ssyncset.done @!p0 $0x0  }
0xb1: {  	[sflag:s0] =	ssyncadd.s32 @!p0 s1  }
0xb2: {  	[bflag:$0x3] =	sbarrier.arrive $0xFFFF  }
0xb3: {  	_ =	shalt  }

</sc_bundles>
